<compile_context>
chip_gen: v7x
topology: tpu7x:2x2x1
jax: 0.10.2.dev20260603
libtpu: 0.0.44.dev20260713+nightly
codegen_flags: <defaults>
</compile_context>

<pallas_src>
import functools

import jax
import jax.numpy as jnp
from jax import lax
from jax.experimental import pallas as pl
from jax.experimental.pallas import tpu as pltpu
from jax.experimental.pallas import tpu_sc as plsc

_NC = 2
_NS = 16
_CHUNK = 128


def _repack_body(lo, hi, out):
    out[...] = jnp.concatenate([lo[...].T, hi[...].T], axis=1)


def _repack(tabT, bm=8192):
    E, V = tabT.shape
    nlo = pl.cdiv((V + 1) // 2, bm)
    Vh = nlo * bm
    last = pl.cdiv(V, bm) - 1
    return pl.pallas_call(
        _repack_body,
        grid=(nlo,),
        in_specs=[
            pl.BlockSpec((E, bm), lambda i: (0, i)),
            pl.BlockSpec((E, bm), lambda i: (0, jnp.minimum(i + nlo, last))),
        ],
        out_specs=pl.BlockSpec((bm, 2 * E), lambda i: (i, 0)),
        out_shape=jax.ShapeDtypeStruct((Vh, 2 * E), jnp.float32),
        compiler_params=pltpu.CompilerParams(
            dimension_semantics=("arbitrary",)),
    )(tabT, tabT)


def _sc_gather(idx2, tutor_pair, time_pad, B, E):
    nw = _NC * _NS
    bpw = B // nw
    nch = bpw // _CHUNK
    nrows = B // _CHUNK

    mesh = plsc.VectorSubcoreMesh(
        core_axis_name="c", subcore_axis_name="s",
        num_cores=_NC, num_subcores=_NS)

    @functools.partial(
        pl.kernel,
        mesh=mesh,
        compiler_params=pltpu.CompilerParams(use_tc_tiling_on_sc=True),
        out_type=jax.ShapeDtypeStruct((B, 4 * E), jnp.float32),
        scratch_types=[
            pltpu.VMEM((nch, _CHUNK), jnp.int32),
            pltpu.VMEM((nch, _CHUNK), jnp.int32),
            pltpu.VMEM((bpw, 2 * E), jnp.float32),
            pltpu.VMEM((bpw // 2, 2 * E), jnp.float32),
            pltpu.SemaphoreType.DMA,
            pltpu.SemaphoreType.DMA,
        ],
    )
    def gather_kernel(idx_hbm, ttab_hbm, mtab_hbm, out_hbm,
                      tidx_v, midx_v, trows_v, mrows_v, tsem, msem):
        wid = lax.axis_index("s") * _NC + lax.axis_index("c")
        base = wid * bpw
        half = bpw // 2
        lanes_t = pl.ds(0, 2 * E)
        lanes_m = pl.ds(2 * E, 2 * E)
        pltpu.sync_copy(idx_hbm.at[pl.ds(wid * nch, nch)], tidx_v)
        pltpu.sync_copy(idx_hbm.at[pl.ds(nrows + wid * nch, nch)], midx_v)
        tcopies = []
        for j in range(nch):
            tcopies.append(pltpu.async_copy(
                ttab_hbm.at[tidx_v.at[j]], trows_v.at[pl.ds(j * _CHUNK, _CHUNK)],
                tsem))
        for p in range(2):
            mcopies = []
            for j in range(nch // 2):
                mcopies.append(pltpu.async_copy(
                    mtab_hbm.at[midx_v.at[p * (nch // 2) + j]],
                    mrows_v.at[pl.ds(j * _CHUNK, _CHUNK)], msem))
            for c in mcopies:
                c.wait()
            pltpu.sync_copy(mrows_v, out_hbm.at[pl.ds(base + p * half, half), lanes_m])
        for c in tcopies:
            c.wait()
        pltpu.sync_copy(trows_v, out_hbm.at[pl.ds(base, bpw), lanes_t])

    return gather_kernel(idx2, tutor_pair, time_pad)


def _mlp_body(emb, parity, featT, wlo, whi, wm, wblk, bsml,
              w1, b1, w2, b2, w3, b3, outT):
    f32 = jnp.float32
    bf16 = jnp.bfloat16
    small = lax.dot_general(
        featT[...], wblk[...], (((0,), (0,)), ((), ())),
        preferred_element_type=f32) + bsml[...]
    e = emb[...]
    et = e[:, 0:128].astype(bf16)
    em = e[:, 128:256].astype(bf16)
    h_lo = jnp.dot(et, wlo[...].astype(bf16), preferred_element_type=f32)
    h_hi = jnp.dot(et, whi[...].astype(bf16), preferred_element_type=f32)
    h_t = jnp.where(parity[...] > 0.5, h_hi, h_lo)
    h = (h_t
         + jnp.dot(em, wm[...].astype(bf16), preferred_element_type=f32)
         + jnp.dot(small.astype(bf16), w1[128:224, :].astype(bf16),
                   preferred_element_type=f32)
         + b1[...])
    h = jnp.maximum(h, 0.0)
    h = jnp.maximum(
        jnp.dot(h.astype(bf16), w2[...].astype(bf16),
                preferred_element_type=f32) + b2[...], 0.0)
    out = jnp.dot(h.astype(bf16), w3[...].astype(bf16),
                  preferred_element_type=f32) + b3[...]
    outT[...] = out.T


def _mlp(emb, parity, featT, wlo, whi, wm, wblk, bsml,
         W1, b1, W2, b2, W3, b3, bm=2048):
    B = emb.shape[0]
    grid = (B // bm,)
    no = W3.shape[1]

    in_specs = [
        pl.BlockSpec((bm, emb.shape[1]), lambda i: (i, 0)),
        pl.BlockSpec((bm, 1), lambda i: (i, 0)),
        pl.BlockSpec((featT.shape[0], bm), lambda i: (0, i)),
        pl.BlockSpec(wlo.shape, lambda i: (0, 0)),
        pl.BlockSpec(whi.shape, lambda i: (0, 0)),
        pl.BlockSpec(wm.shape, lambda i: (0, 0)),
        pl.BlockSpec(wblk.shape, lambda i: (0, 0)),
        pl.BlockSpec(bsml.shape, lambda i: (0, 0)),
        pl.BlockSpec(W1.shape, lambda i: (0, 0)),
        pl.BlockSpec(b1.shape, lambda i: (0, 0)),
        pl.BlockSpec(W2.shape, lambda i: (0, 0)),
        pl.BlockSpec(b2.shape, lambda i: (0, 0)),
        pl.BlockSpec(W3.shape, lambda i: (0, 0)),
        pl.BlockSpec(b3.shape, lambda i: (0, 0)),
    ]
    return pl.pallas_call(
        _mlp_body,
        grid=grid,
        in_specs=in_specs,
        out_specs=pl.BlockSpec((no, bm), lambda i: (0, i)),
        out_shape=jax.ShapeDtypeStruct((no, B), jnp.float32),
        compiler_params=pltpu.CompilerParams(
            dimension_semantics=("arbitrary",)),
    )(emb, parity, featT, wlo, whi, wm, wblk, bsml,
      W1, b1, W2, b2, W3, b3)


def kernel(tutor_idx, time_idx, experience, subject_pca, grade_pca,
           tutor_table, time_table, Ws, bs, Wg, bg, We, be,
           W1, b1, W2, b2, W3, b3):
    B = tutor_idx.shape[0]
    E = tutor_table.shape[1]

    V = tutor_table.shape[0]
    Vh = pl.cdiv((V + 1) // 2, 8192) * 8192
    trow = jnp.where(tutor_idx < Vh, tutor_idx, tutor_idx - Vh)
    idx2 = jnp.concatenate([trow, time_idx]).reshape(2 * B // _CHUNK, _CHUNK)
    parity = (tutor_idx >= Vh).astype(jnp.float32)[:, None]

    tutor_pair = _repack(tutor_table.T)
    time_pad = jnp.pad(time_table, ((0, 0), (0, E)))
    emb = _sc_gather(idx2, tutor_pair, time_pad, B, E)

    featT = jnp.concatenate(
        [subject_pca.T, grade_pca.T, experience[None, :]], axis=0)
    z = jnp.zeros
    f32 = jnp.float32
    wblk = jnp.concatenate([
        jnp.concatenate([Ws, z((10, 64), f32)], axis=1),
        jnp.concatenate([z((5, 32), f32), Wg, z((5, 32), f32)], axis=1),
        jnp.concatenate([z((1, 64), f32), We], axis=1),
    ], axis=0)
    bsml = jnp.concatenate([bs, bg, be])[None, :]
    n1 = W1.shape[1]
    wlo = jnp.concatenate([W1[0:E, :], z((E, n1), f32)], axis=0)
    whi = jnp.concatenate([z((E, n1), f32), W1[0:E, :]], axis=0)
    wm = jnp.concatenate([W1[E:2 * E, :], z((E, n1), f32)], axis=0)

    outT = _mlp(emb, parity, featT, wlo, whi, wm, wblk, bsml,
                W1, b1[None, :], W2, b2[None, :], W3, b3[None, :])
    return outT.T

# --- scband reference (transcript-rebuilt; emitter-appended) ---
"""Pipeline reference for scband-tutor-model-88613765251390 (READ-ONLY COPY).

The authoritative reference and input builder live on the scoring server;
editing this copy changes nothing except your own understanding.
"""

import jax, jax.numpy as jnp
import numpy as np

B = 16384
TUTOR_VOCAB = 100002
TIME_VOCAB = 1002
EMB = 64


def setup_inputs(seed: int = 0) -> dict:
    key = jax.random.key(seed)
    ks = jax.random.split(key, 24)
    inp = {}
    inp['tutor_idx'] = jax.random.randint(ks[0], (B,), 0, TUTOR_VOCAB, dtype=jnp.int32)
    inp['time_idx'] = jax.random.randint(ks[1], (B,), 0, TIME_VOCAB, dtype=jnp.int32)
    inp['experience'] = jax.random.uniform(ks[2], (B,), dtype=jnp.float32) * 10.0
    inp['subject_pca'] = jax.random.normal(ks[3], (B, 10), dtype=jnp.float32)
    inp['grade_pca'] = jax.random.normal(ks[4], (B, 5), dtype=jnp.float32)
    # Learned parameters
    inp['tutor_table'] = jax.random.normal(ks[5], (TUTOR_VOCAB, EMB), dtype=jnp.float32) * 0.05
    inp['time_table'] = jax.random.normal(ks[6], (TIME_VOCAB, EMB), dtype=jnp.float32) * 0.05
    inp['Ws'] = jax.random.normal(ks[7], (10, 32), dtype=jnp.float32) * (1.0 / np.sqrt(10))
    inp['bs'] = jnp.zeros((32,), dtype=jnp.float32)
    inp['Wg'] = jax.random.normal(ks[8], (5, 32), dtype=jnp.float32) * (1.0 / np.sqrt(5))
    inp['bg'] = jnp.zeros((32,), dtype=jnp.float32)
    inp['We'] = jax.random.normal(ks[9], (1, 32), dtype=jnp.float32)
    inp['be'] = jnp.zeros((32,), dtype=jnp.float32)
    inp['W1'] = jax.random.normal(ks[10], (224, 256), dtype=jnp.float32) * (1.0 / np.sqrt(224))
    inp['b1'] = jnp.zeros((256,), dtype=jnp.float32)
    inp['W2'] = jax.random.normal(ks[11], (256, 128), dtype=jnp.float32) * (1.0 / np.sqrt(256))
    inp['b2'] = jnp.zeros((128,), dtype=jnp.float32)
    inp['W3'] = jax.random.normal(ks[12], (128, 32), dtype=jnp.float32) * (1.0 / np.sqrt(128))
    inp['b3'] = jnp.zeros((32,), dtype=jnp.float32)
    return inp


def reference(tutor_idx, time_idx, experience, subject_pca, grade_pca,
              tutor_table, time_table, Ws, bs, Wg, bg, We, be,
              W1, b1, W2, b2, W3, b3):
    # Embedding lookups (StringLookup -> int indices modeled directly)
    tutor_emb = jnp.take(tutor_table, tutor_idx, axis=0)            # [B, 64]
    time_emb = jnp.take(time_table, time_idx, axis=0)               # [B, 64]
    # Dense projections of PCA features and experience
    subject_emb = subject_pca @ Ws + bs                             # [B, 32]
    grade_emb = grade_pca @ Wg + bg                                 # [B, 32]
    exp_emb = experience[:, None] @ We + be                         # [B, 32]
    concatenated = jnp.concatenate([tutor_emb, time_emb, subject_emb, grade_emb, exp_emb], axis=-1)  # [B, 224]
    # MLP tower (dropout is identity at inference)
    h = jax.nn.relu(concatenated @ W1 + b1)
    h = jax.nn.relu(h @ W2 + b2)
    out = h @ W3 + b3                                               # [B, 32]
    return out

if __name__ == "__main__":
    import jax
    _d = setup_inputs()
    print(jax.jit(kernel)(*tuple(_d.values())))

</pallas_src>

<mosaic_0001>
#map = affine_map<(d0, d1) -> (0, 0)>
module attributes {stable_mosaic.version = 14 : i64} {
  func.func @gather_kernel(%arg0: i32, %arg1: i32, %arg2: memref<256x128xi32, #tpu.memory_space<hbm>>, %arg3: memref<57344x128xf32, #tpu.memory_space<hbm>>, %arg4: memref<1002x128xf32, #tpu.memory_space<hbm>>, %arg5: memref<16384x256xf32, #tpu.memory_space<hbm>>, %arg6: memref<4x128xi32, #tpu.memory_space<vmem>>, %arg7: memref<4x128xi32, #tpu.memory_space<vmem>>, %arg8: memref<512x128xf32, #tpu.memory_space<vmem>>, %arg9: memref<256x128xf32, #tpu.memory_space<vmem>>, %arg10: memref<!tpu.dma_semaphore, #tpu.memory_space<semaphore_mem>>, %arg11: memref<!tpu.dma_semaphore, #tpu.memory_space<semaphore_mem>>) attributes {dimension_semantics = [#tpu.dimension_semantics<core_parallel>, #tpu.dimension_semantics<subcore_parallel>], iteration_bounds = array<i64: 2, 16>, scalar_prefetch = 0 : i64, scratch_operands = 6 : i64, tpu.core_type = #tpu.core_type<sc_vector_subcore>, window_params = [{transform_indices = #map}, {transform_indices = #map}, {transform_indices = #map}, {transform_indices = #map}]} {
    %mul3A = arith.constant 2 : i32
    %mul3A_0 = arith.muli %arg1, %mul3A : i32
    %add3A = arith.addi %mul3A_0, %arg0 : i32
    %mul3A_1 = arith.constant 512 : i32
    %mul3A_2 = arith.muli %add3A, %mul3A_1 : i32
    %mul3A_3 = arith.constant 4 : i32
    %mul3A_4 = arith.muli %add3A, %mul3A_3 : i32
    "tpu.region"() ({
      %run_scoped3A = tpu.sem_alloc : memref<!tpu.dma_semaphore, #tpu.memory_space<semaphore_mem>>
      %dma_start3A_171 = arith.constant 0 : i32
      %dma_start3A_172 = tpu.memref_slice %arg2[%mul3A_4, %dma_start3A_171] : memref<256x128xi32, #tpu.memory_space<hbm>> -> memref<4x128xi32, #tpu.memory_space<hbm>>
      %dma_start3A_173 = arith.constant 0 : i32
      %dma_start3A_174 = tpu.memref_slice %arg2[%mul3A_4, %dma_start3A_173] : memref<256x128xi32, #tpu.memory_space<hbm>> -> memref<4x128xi32, #tpu.memory_space<hbm>>
      tpu.enqueue_dma source(%dma_start3A_174 : memref<4x128xi32, #tpu.memory_space<hbm>>) target(%arg6 : memref<4x128xi32, #tpu.memory_space<vmem>>) target_semaphore(%run_scoped3A : memref<!tpu.dma_semaphore, #tpu.memory_space<semaphore_mem>>)
      %dma_wait3A_175 = arith.constant 0 : i32
      %dma_wait3A_176 = tpu.memref_slice %arg2[%mul3A_4, %dma_wait3A_175] : memref<256x128xi32, #tpu.memory_space<hbm>> -> memref<4x128xi32, #tpu.memory_space<hbm>>
      %dma_wait3A_177 = arith.constant 0 : i32
      %dma_wait3A_178 = tpu.memref_slice %arg2[%mul3A_4, %dma_wait3A_177] : memref<256x128xi32, #tpu.memory_space<hbm>> -> memref<4x128xi32, #tpu.memory_space<hbm>>
      tpu.wait_dma2 semaphore(%run_scoped3A : memref<!tpu.dma_semaphore, #tpu.memory_space<semaphore_mem>>) src(%dma_wait3A_178 : memref<4x128xi32, #tpu.memory_space<hbm>>) dst(%arg6 : memref<4x128xi32, #tpu.memory_space<vmem>>)
      tpu.yield
    }) : () -> ()
    %mul3A_5 = arith.constant 4 : i32
    %mul3A_6 = arith.muli %add3A, %mul3A_5 : i32
    %add3A_7 = arith.constant 128 : i32
    %add3A_8 = arith.addi %add3A_7, %mul3A_6 : i32
    "tpu.region"() ({
      %run_scoped3A = tpu.sem_alloc : memref<!tpu.dma_semaphore, #tpu.memory_space<semaphore_mem>>
      %dma_start3A_171 = arith.constant 0 : i32
      %dma_start3A_172 = tpu.memref_slice %arg2[%add3A_8, %dma_start3A_171] : memref<256x128xi32, #tpu.memory_space<hbm>> -> memref<4x128xi32, #tpu.memory_space<hbm>>
      %dma_start3A_173 = arith.constant 0 : i32
      %dma_start3A_174 = tpu.memref_slice %arg2[%add3A_8, %dma_start3A_173] : memref<256x128xi32, #tpu.memory_space<hbm>> -> memref<4x128xi32, #tpu.memory_space<hbm>>
      tpu.enqueue_dma source(%dma_start3A_174 : memref<4x128xi32, #tpu.memory_space<hbm>>) target(%arg7 : memref<4x128xi32, #tpu.memory_space<vmem>>) target_semaphore(%run_scoped3A : memref<!tpu.dma_semaphore, #tpu.memory_space<semaphore_mem>>)
      %dma_wait3A_175 = arith.constant 0 : i32
      %dma_wait3A_176 = tpu.memref_slice %arg2[%add3A_8, %dma_wait3A_175] : memref<256x128xi32, #tpu.memory_space<hbm>> -> memref<4x128xi32, #tpu.memory_space<hbm>>
      %dma_wait3A_177 = arith.constant 0 : i32
      %dma_wait3A_178 = tpu.memref_slice %arg2[%add3A_8, %dma_wait3A_177] : memref<256x128xi32, #tpu.memory_space<hbm>> -> memref<4x128xi32, #tpu.memory_space<hbm>>
      tpu.wait_dma2 semaphore(%run_scoped3A : memref<!tpu.dma_semaphore, #tpu.memory_space<semaphore_mem>>) src(%dma_wait3A_178 : memref<4x128xi32, #tpu.memory_space<hbm>>) dst(%arg7 : memref<4x128xi32, #tpu.memory_space<vmem>>)
      tpu.yield
    }) : () -> ()
    %dma_start3A = arith.constant 0 : i32
    %dma_start3A_9 = arith.constant 0 : i32
    %dma_start3A_10 = arith.constant 0 : i32
    %dma_start3A_11 = tpu.memref_slice %arg8[%dma_start3A_9, %dma_start3A_10] : memref<512x128xf32, #tpu.memory_space<vmem>> -> memref<128x128xf32, #tpu.memory_space<vmem>>
    %dma_start3A_12 = arith.constant 0 : i32
    %dma_start3A_13 = tpu.memref_slice %arg6[%dma_start3A, %dma_start3A_12] : memref<4x128xi32, #tpu.memory_space<vmem>> -> memref<1x128xi32, #tpu.memory_space<vmem>>
    %dma_start3A_14 = tpu.memref_squeeze %dma_start3A_13 : memref<1x128xi32, #tpu.memory_space<vmem>> -> memref<128xi32, #tpu.memory_space<vmem>>
    %dma_start3A_15 = arith.constant 0 : i32
    %dma_start3A_16 = arith.constant 0 : i32
    %dma_start3A_17 = tpu.memref_slice %arg3[%dma_start3A_15, %dma_start3A_16] : memref<57344x128xf32, #tpu.memory_space<hbm>> -> memref<57344x128xf32, #tpu.memory_space<hbm>>
    tpu.enqueue_indirect_dma source(%dma_start3A_17 : memref<57344x128xf32, #tpu.memory_space<hbm>>) target(%dma_start3A_11 : memref<128x128xf32, #tpu.memory_space<vmem>>) offsets(%dma_start3A_14 : memref<128xi32, #tpu.memory_space<vmem>>) semaphore(%arg10 : memref<!tpu.dma_semaphore, #tpu.memory_space<semaphore_mem>>)
    %dma_start3A_18 = arith.constant 1 : i32
    %dma_start3A_19 = arith.constant 128 : i32
    %dma_start3A_20 = arith.constant 0 : i32
    %dma_start3A_21 = tpu.memref_slice %arg8[%dma_start3A_19, %dma_start3A_20] : memref<512x128xf32, #tpu.memory_space<vmem>> -> memref<128x128xf32, #tpu.memory_space<vmem>>
    %dma_start3A_22 = arith.constant 0 : i32
    %dma_start3A_23 = tpu.memref_slice %arg6[%dma_start3A_18, %dma_start3A_22] : memref<4x128xi32, #tpu.memory_space<vmem>> -> memref<1x128xi32, #tpu.memory_space<vmem>>
    %dma_start3A_24 = tpu.memref_squeeze %dma_start3A_23 : memref<1x128xi32, #tpu.memory_space<vmem>> -> memref<128xi32, #tpu.memory_space<vmem>>
    %dma_start3A_25 = arith.constant 0 : i32
    %dma_start3A_26 = arith.constant 0 : i32
    %dma_start3A_27 = tpu.memref_slice %arg3[%dma_start3A_25, %dma_start3A_26] : memref<57344x128xf32, #tpu.memory_space<hbm>> -> memref<57344x128xf32, #tpu.memory_space<hbm>>
    tpu.enqueue_indirect_dma source(%dma_start3A_27 : memref<57344x128xf32, #tpu.memory_space<hbm>>) target(%dma_start3A_21 : memref<128x128xf32, #tpu.memory_space<vmem>>) offsets(%dma_start3A_24 : memref<128xi32, #tpu.memory_space<vmem>>) semaphore(%arg10 : memref<!tpu.dma_semaphore, #tpu.memory_space<semaphore_mem>>)
    %dma_start3A_28 = arith.constant 2 : i32
    %dma_start3A_29 = arith.constant 256 : i32
    %dma_start3A_30 = arith.constant 0 : i32
    %dma_start3A_31 = tpu.memref_slice %arg8[%dma_start3A_29, %dma_start3A_30] : memref<512x128xf32, #tpu.memory_space<vmem>> -> memref<128x128xf32, #tpu.memory_space<vmem>>
    %dma_start3A_32 = arith.constant 0 : i32
    %dma_start3A_33 = tpu.memref_slice %arg6[%dma_start3A_28, %dma_start3A_32] : memref<4x128xi32, #tpu.memory_space<vmem>> -> memref<1x128xi32, #tpu.memory_space<vmem>>
    %dma_start3A_34 = tpu.memref_squeeze %dma_start3A_33 : memref<1x128xi32, #tpu.memory_space<vmem>> -> memref<128xi32, #tpu.memory_space<vmem>>
    %dma_start3A_35 = arith.constant 0 : i32
    %dma_start3A_36 = arith.constant 0 : i32
    %dma_start3A_37 = tpu.memref_slice %arg3[%dma_start3A_35, %dma_start3A_36] : memref<57344x128xf32, #tpu.memory_space<hbm>> -> memref<57344x128xf32, #tpu.memory_space<hbm>>
    tpu.enqueue_indirect_dma source(%dma_start3A_37 : memref<57344x128xf32, #tpu.memory_space<hbm>>) target(%dma_start3A_31 : memref<128x128xf32, #tpu.memory_space<vmem>>) offsets(%dma_start3A_34 : memref<128xi32, #tpu.memory_space<vmem>>) semaphore(%arg10 : memref<!tpu.dma_semaphore, #tpu.memory_space<semaphore_mem>>)
    %dma_start3A_38 = arith.constant 3 : i32
    %dma_start3A_39 = arith.constant 384 : i32
    %dma_start3A_40 = arith.constant 0 : i32
    %dma_start3A_41 = tpu.memref_slice %arg8[%dma_start3A_39, %dma_start3A_40] : memref<512x128xf32, #tpu.memory_space<vmem>> -> memref<128x128xf32, #tpu.memory_space<vmem>>
    %dma_start3A_42 = arith.constant 0 : i32
    %dma_start3A_43 = tpu.memref_slice %arg6[%dma_start3A_38, %dma_start3A_42] : memref<4x128xi32, #tpu.memory_space<vmem>> -> memref<1x128xi32, #tpu.memory_space<vmem>>
    %dma_start3A_44 = tpu.memref_squeeze %dma_start3A_43 : memref<1x128xi32, #tpu.memory_space<vmem>> -> memref<128xi32, #tpu.memory_space<vmem>>
    %dma_start3A_45 = arith.constant 0 : i32
    %dma_start3A_46 = arith.constant 0 : i32
    %dma_start3A_47 = tpu.memref_slice %arg3[%dma_start3A_45, %dma_start3A_46] : memref<57344x128xf32, #tpu.memory_space<hbm>> -> memref<57344x128xf32, #tpu.memory_space<hbm>>
    tpu.enqueue_indirect_dma source(%dma_start3A_47 : memref<57344x128xf32, #tpu.memory_space<hbm>>) target(%dma_start3A_41 : memref<128x128xf32, #tpu.memory_space<vmem>>) offsets(%dma_start3A_44 : memref<128xi32, #tpu.memory_space<vmem>>) semaphore(%arg10 : memref<!tpu.dma_semaphore, #tpu.memory_space<semaphore_mem>>)
    %dma_start3A_48 = arith.constant 0 : i32
    %dma_start3A_49 = arith.constant 0 : i32
    %dma_start3A_50 = arith.constant 0 : i32
    %dma_start3A_51 = tpu.memref_slice %arg9[%dma_start3A_49, %dma_start3A_50] : memref<256x128xf32, #tpu.memory_space<vmem>> -> memref<128x128xf32, #tpu.memory_space<vmem>>
    %dma_start3A_52 = arith.constant 0 : i32
    %dma_start3A_53 = tpu.memref_slice %arg7[%dma_start3A_48, %dma_start3A_52] : memref<4x128xi32, #tpu.memory_space<vmem>> -> memref<1x128xi32, #tpu.memory_space<vmem>>
    %dma_start3A_54 = tpu.memref_squeeze %dma_start3A_53 : memref<1x128xi32, #tpu.memory_space<vmem>> -> memref<128xi32, #tpu.memory_space<vmem>>
    %dma_start3A_55 = arith.constant 0 : i32
    %dma_start3A_56 = arith.constant 0 : i32
    %dma_start3A_57 = tpu.memref_slice %arg4[%dma_start3A_55, %dma_start3A_56] : memref<1002x128xf32, #tpu.memory_space<hbm>> -> memref<1002x128xf32, #tpu.memory_space<hbm>>
    tpu.enqueue_indirect_dma source(%dma_start3A_57 : memref<1002x128xf32, #tpu.memory_space<hbm>>) target(%dma_start3A_51 : memref<128x128xf32, #tpu.memory_space<vmem>>) offsets(%dma_start3A_54 : memref<128xi32, #tpu.memory_space<vmem>>) semaphore(%arg11 : memref<!tpu.dma_semaphore, #tpu.memory_space<semaphore_mem>>)
    %dma_start3A_58 = arith.constant 1 : i32
    %dma_start3A_59 = arith.constant 128 : i32
    %dma_start3A_60 = arith.constant 0 : i32
    %dma_start3A_61 = tpu.memref_slice %arg9[%dma_start3A_59, %dma_start3A_60] : memref<256x128xf32, #tpu.memory_space<vmem>> -> memref<128x128xf32, #tpu.memory_space<vmem>>
    %dma_start3A_62 = arith.constant 0 : i32
    %dma_start3A_63 = tpu.memref_slice %arg7[%dma_start3A_58, %dma_start3A_62] : memref<4x128xi32, #tpu.memory_space<vmem>> -> memref<1x128xi32, #tpu.memory_space<vmem>>
    %dma_start3A_64 = tpu.memref_squeeze %dma_start3A_63 : memref<1x128xi32, #tpu.memory_space<vmem>> -> memref<128xi32, #tpu.memory_space<vmem>>
    %dma_start3A_65 = arith.constant 0 : i32
    %dma_start3A_66 = arith.constant 0 : i32
    %dma_start3A_67 = tpu.memref_slice %arg4[%dma_start3A_65, %dma_start3A_66] : memref<1002x128xf32, #tpu.memory_space<hbm>> -> memref<1002x128xf32, #tpu.memory_space<hbm>>
    tpu.enqueue_indirect_dma source(%dma_start3A_67 : memref<1002x128xf32, #tpu.memory_space<hbm>>) target(%dma_start3A_61 : memref<128x128xf32, #tpu.memory_space<vmem>>) offsets(%dma_start3A_64 : memref<128xi32, #tpu.memory_space<vmem>>) semaphore(%arg11 : memref<!tpu.dma_semaphore, #tpu.memory_space<semaphore_mem>>)
    %dma_wait3A = arith.constant 0 : i32
    %dma_wait3A_68 = arith.constant 0 : i32
    %dma_wait3A_69 = arith.constant 0 : i32
    %dma_wait3A_70 = tpu.memref_slice %arg9[%dma_wait3A_68, %dma_wait3A_69] : memref<256x128xf32, #tpu.memory_space<vmem>> -> memref<128x128xf32, #tpu.memory_space<vmem>>
    %dma_wait3A_71 = arith.constant 0 : i32
    %dma_wait3A_72 = tpu.memref_slice %arg7[%dma_wait3A, %dma_wait3A_71] : memref<4x128xi32, #tpu.memory_space<vmem>> -> memref<1x128xi32, #tpu.memory_space<vmem>>
    %dma_wait3A_73 = tpu.memref_squeeze %dma_wait3A_72 : memref<1x128xi32, #tpu.memory_space<vmem>> -> memref<128xi32, #tpu.memory_space<vmem>>
    %dma_wait3A_74 = arith.constant 0 : i32
    %dma_wait3A_75 = arith.constant 0 : i32
    %dma_wait3A_76 = tpu.memref_slice %arg4[%dma_wait3A_74, %dma_wait3A_75] : memref<1002x128xf32, #tpu.memory_space<hbm>> -> memref<1002x128xf32, #tpu.memory_space<hbm>>
    tpu.wait_indirect_dma semaphore(%arg11 : memref<!tpu.dma_semaphore, #tpu.memory_space<semaphore_mem>>) src(%dma_wait3A_76 : memref<1002x128xf32, #tpu.memory_space<hbm>>) dst(%dma_wait3A_70 : memref<128x128xf32, #tpu.memory_space<vmem>>)
    %dma_wait3A_77 = arith.constant 1 : i32
    %dma_wait3A_78 = arith.constant 128 : i32
    %dma_wait3A_79 = arith.constant 0 : i32
    %dma_wait3A_80 = tpu.memref_slice %arg9[%dma_wait3A_78, %dma_wait3A_79] : memref<256x128xf32, #tpu.memory_space<vmem>> -> memref<128x128xf32, #tpu.memory_space<vmem>>
    %dma_wait3A_81 = arith.constant 0 : i32
    %dma_wait3A_82 = tpu.memref_slice %arg7[%dma_wait3A_77, %dma_wait3A_81] : memref<4x128xi32, #tpu.memory_space<vmem>> -> memref<1x128xi32, #tpu.memory_space<vmem>>
    %dma_wait3A_83 = tpu.memref_squeeze %dma_wait3A_82 : memref<1x128xi32, #tpu.memory_space<vmem>> -> memref<128xi32, #tpu.memory_space<vmem>>
    %dma_wait3A_84 = arith.constant 0 : i32
    %dma_wait3A_85 = arith.constant 0 : i32
    %dma_wait3A_86 = tpu.memref_slice %arg4[%dma_wait3A_84, %dma_wait3A_85] : memref<1002x128xf32, #tpu.memory_space<hbm>> -> memref<1002x128xf32, #tpu.memory_space<hbm>>
    tpu.wait_indirect_dma semaphore(%arg11 : memref<!tpu.dma_semaphore, #tpu.memory_space<semaphore_mem>>) src(%dma_wait3A_86 : memref<1002x128xf32, #tpu.memory_space<hbm>>) dst(%dma_wait3A_80 : memref<128x128xf32, #tpu.memory_space<vmem>>)
    %add3A_87 = arith.constant 0 : i32
    %add3A_88 = arith.addi %mul3A_2, %add3A_87 : i32
    "tpu.region"() ({
      %run_scoped3A = tpu.sem_alloc : memref<!tpu.dma_semaphore, #tpu.memory_space<semaphore_mem>>
      %dma_start3A_171 = arith.constant 128 : i32
      %dma_start3A_172 = tpu.memref_slice %arg5[%add3A_88, %dma_start3A_171] : memref<16384x256xf32, #tpu.memory_space<hbm>> -> memref<256x128xf32, #tpu.memory_space<hbm>>
      %dma_start3A_173 = arith.constant 128 : i32
      %dma_start3A_174 = tpu.memref_slice %arg5[%add3A_88, %dma_start3A_173] : memref<16384x256xf32, #tpu.memory_space<hbm>> -> memref<256x128xf32, #tpu.memory_space<hbm>>
      tpu.enqueue_dma source(%arg9 : memref<256x128xf32, #tpu.memory_space<vmem>>) target(%dma_start3A_174 : memref<256x128xf32, #tpu.memory_space<hbm>>) target_semaphore(%run_scoped3A : memref<!tpu.dma_semaphore, #tpu.memory_space<semaphore_mem>>)
      %dma_wait3A_175 = arith.constant 128 : i32
      %dma_wait3A_176 = tpu.memref_slice %arg5[%add3A_88, %dma_wait3A_175] : memref<16384x256xf32, #tpu.memory_space<hbm>> -> memref<256x128xf32, #tpu.memory_space<hbm>>
      %dma_wait3A_177 = arith.constant 128 : i32
      %dma_wait3A_178 = tpu.memref_slice %arg5[%add3A_88, %dma_wait3A_177] : memref<16384x256xf32, #tpu.memory_space<hbm>> -> memref<256x128xf32, #tpu.memory_space<hbm>>
      tpu.wait_dma2 semaphore(%run_scoped3A : memref<!tpu.dma_semaphore, #tpu.memory_space<semaphore_mem>>) src(%arg9 : memref<256x128xf32, #tpu.memory_space<vmem>>) dst(%dma_wait3A_178 : memref<256x128xf32, #tpu.memory_space<hbm>>)
      tpu.yield
    }) : () -> ()
    %dma_start3A_89 = arith.constant 2 : i32
    %dma_start3A_90 = arith.constant 0 : i32
    %dma_start3A_91 = arith.constant 0 : i32
    %dma_start3A_92 = tpu.memref_slice %arg9[%dma_start3A_90, %dma_start3A_91] : memref<256x128xf32, #tpu.memory_space<vmem>> -> memref<128x128xf32, #tpu.memory_space<vmem>>
    %dma_start3A_93 = arith.constant 0 : i32
    %dma_start3A_94 = tpu.memref_slice %arg7[%dma_start3A_89, %dma_start3A_93] : memref<4x128xi32, #tpu.memory_space<vmem>> -> memref<1x128xi32, #tpu.memory_space<vmem>>
    %dma_start3A_95 = tpu.memref_squeeze %dma_start3A_94 : memref<1x128xi32, #tpu.memory_space<vmem>> -> memref<128xi32, #tpu.memory_space<vmem>>
    %dma_start3A_96 = arith.constant 0 : i32
    %dma_start3A_97 = arith.constant 0 : i32
    %dma_start3A_98 = tpu.memref_slice %arg4[%dma_start3A_96, %dma_start3A_97] : memref<1002x128xf32, #tpu.memory_space<hbm>> -> memref<1002x128xf32, #tpu.memory_space<hbm>>
    tpu.enqueue_indirect_dma source(%dma_start3A_98 : memref<1002x128xf32, #tpu.memory_space<hbm>>) target(%dma_start3A_92 : memref<128x128xf32, #tpu.memory_space<vmem>>) offsets(%dma_start3A_95 : memref<128xi32, #tpu.memory_space<vmem>>) semaphore(%arg11 : memref<!tpu.dma_semaphore, #tpu.memory_space<semaphore_mem>>)
    %dma_start3A_99 = arith.constant 3 : i32
    %dma_start3A_100 = arith.constant 128 : i32
    %dma_start3A_101 = arith.constant 0 : i32
    %dma_start3A_102 = tpu.memref_slice %arg9[%dma_start3A_100, %dma_start3A_101] : memref<256x128xf32, #tpu.memory_space<vmem>> -> memref<128x128xf32, #tpu.memory_space<vmem>>
    %dma_start3A_103 = arith.constant 0 : i32
    %dma_start3A_104 = tpu.memref_slice %arg7[%dma_start3A_99, %dma_start3A_103] : memref<4x128xi32, #tpu.memory_space<vmem>> -> memref<1x128xi32, #tpu.memory_space<vmem>>
    %dma_start3A_105 = tpu.memref_squeeze %dma_start3A_104 : memref<1x128xi32, #tpu.memory_space<vmem>> -> memref<128xi32, #tpu.memory_space<vmem>>
    %dma_start3A_106 = arith.constant 0 : i32
    %dma_start3A_107 = arith.constant 0 : i32
    %dma_start3A_108 = tpu.memref_slice %arg4[%dma_start3A_106, %dma_start3A_107] : memref<1002x128xf32, #tpu.memory_space<hbm>> -> memref<1002x128xf32, #tpu.memory_space<hbm>>
    tpu.enqueue_indirect_dma source(%dma_start3A_108 : memref<1002x128xf32, #tpu.memory_space<hbm>>) target(%dma_start3A_102 : memref<128x128xf32, #tpu.memory_space<vmem>>) offsets(%dma_start3A_105 : memref<128xi32, #tpu.memory_space<vmem>>) semaphore(%arg11 : memref<!tpu.dma_semaphore, #tpu.memory_space<semaphore_mem>>)
    %dma_wait3A_109 = arith.constant 2 : i32
    %dma_wait3A_110 = arith.constant 0 : i32
    %dma_wait3A_111 = arith.constant 0 : i32
    %dma_wait3A_112 = tpu.memref_slice %arg9[%dma_wait3A_110, %dma_wait3A_111] : memref<256x128xf32, #tpu.memory_space<vmem>> -> memref<128x128xf32, #tpu.memory_space<vmem>>
    %dma_wait3A_113 = arith.constant 0 : i32
    %dma_wait3A_114 = tpu.memref_slice %arg7[%dma_wait3A_109, %dma_wait3A_113] : memref<4x128xi32, #tpu.memory_space<vmem>> -> memref<1x128xi32, #tpu.memory_space<vmem>>
    %dma_wait3A_115 = tpu.memref_squeeze %dma_wait3A_114 : memref<1x128xi32, #tpu.memory_space<vmem>> -> memref<128xi32, #tpu.memory_space<vmem>>
    %dma_wait3A_116 = arith.constant 0 : i32
    %dma_wait3A_117 = arith.constant 0 : i32
    %dma_wait3A_118 = tpu.memref_slice %arg4[%dma_wait3A_116, %dma_wait3A_117] : memref<1002x128xf32, #tpu.memory_space<hbm>> -> memref<1002x128xf32, #tpu.memory_space<hbm>>
    tpu.wait_indirect_dma semaphore(%arg11 : memref<!tpu.dma_semaphore, #tpu.memory_space<semaphore_mem>>) src(%dma_wait3A_118 : memref<1002x128xf32, #tpu.memory_space<hbm>>) dst(%dma_wait3A_112 : memref<128x128xf32, #tpu.memory_space<vmem>>)
    %dma_wait3A_119 = arith.constant 3 : i32
    %dma_wait3A_120 = arith.constant 128 : i32
    %dma_wait3A_121 = arith.constant 0 : i32
    %dma_wait3A_122 = tpu.memref_slice %arg9[%dma_wait3A_120, %dma_wait3A_121] : memref<256x128xf32, #tpu.memory_space<vmem>> -> memref<128x128xf32, #tpu.memory_space<vmem>>
    %dma_wait3A_123 = arith.constant 0 : i32
    %dma_wait3A_124 = tpu.memref_slice %arg7[%dma_wait3A_119, %dma_wait3A_123] : memref<4x128xi32, #tpu.memory_space<vmem>> -> memref<1x128xi32, #tpu.memory_space<vmem>>
    %dma_wait3A_125 = tpu.memref_squeeze %dma_wait3A_124 : memref<1x128xi32, #tpu.memory_space<vmem>> -> memref<128xi32, #tpu.memory_space<vmem>>
    %dma_wait3A_126 = arith.constant 0 : i32
    %dma_wait3A_127 = arith.constant 0 : i32
    %dma_wait3A_128 = tpu.memref_slice %arg4[%dma_wait3A_126, %dma_wait3A_127] : memref<1002x128xf32, #tpu.memory_space<hbm>> -> memref<1002x128xf32, #tpu.memory_space<hbm>>
    tpu.wait_indirect_dma semaphore(%arg11 : memref<!tpu.dma_semaphore, #tpu.memory_space<semaphore_mem>>) src(%dma_wait3A_128 : memref<1002x128xf32, #tpu.memory_space<hbm>>) dst(%dma_wait3A_122 : memref<128x128xf32, #tpu.memory_space<vmem>>)
    %add3A_129 = arith.constant 256 : i32
    %add3A_130 = arith.addi %mul3A_2, %add3A_129 : i32
    "tpu.region"() ({
      %run_scoped3A = tpu.sem_alloc : memref<!tpu.dma_semaphore, #tpu.memory_space<semaphore_mem>>
      %dma_start3A_171 = arith.constant 128 : i32
      %dma_start3A_172 = tpu.memref_slice %arg5[%add3A_130, %dma_start3A_171] : memref<16384x256xf32, #tpu.memory_space<hbm>> -> memref<256x128xf32, #tpu.memory_space<hbm>>
      %dma_start3A_173 = arith.constant 128 : i32
      %dma_start3A_174 = tpu.memref_slice %arg5[%add3A_130, %dma_start3A_173] : memref<16384x256xf32, #tpu.memory_space<hbm>> -> memref<256x128xf32, #tpu.memory_space<hbm>>
      tpu.enqueue_dma source(%arg9 : memref<256x128xf32, #tpu.memory_space<vmem>>) target(%dma_start3A_174 : memref<256x128xf32, #tpu.memory_space<hbm>>) target_semaphore(%run_scoped3A : memref<!tpu.dma_semaphore, #tpu.memory_space<semaphore_mem>>)
      %dma_wait3A_175 = arith.constant 128 : i32
      %dma_wait3A_176 = tpu.memref_slice %arg5[%add3A_130, %dma_wait3A_175] : memref<16384x256xf32, #tpu.memory_space<hbm>> -> memref<256x128xf32, #tpu.memory_space<hbm>>
      %dma_wait3A_177 = arith.constant 128 : i32
      %dma_wait3A_178 = tpu.memref_slice %arg5[%add3A_130, %dma_wait3A_177] : memref<16384x256xf32, #tpu.memory_space<hbm>> -> memref<256x128xf32, #tpu.memory_space<hbm>>
      tpu.wait_dma2 semaphore(%run_scoped3A : memref<!tpu.dma_semaphore, #tpu.memory_space<semaphore_mem>>) src(%arg9 : memref<256x128xf32, #tpu.memory_space<vmem>>) dst(%dma_wait3A_178 : memref<256x128xf32, #tpu.memory_space<hbm>>)
      tpu.yield
    }) : () -> ()
    %dma_wait3A_131 = arith.constant 0 : i32
    %dma_wait3A_132 = arith.constant 0 : i32
    %dma_wait3A_133 = arith.constant 0 : i32
    %dma_wait3A_134 = tpu.memref_slice %arg8[%dma_wait3A_132, %dma_wait3A_133] : memref<512x128xf32, #tpu.memory_space<vmem>> -> memref<128x128xf32, #tpu.memory_space<vmem>>
    %dma_wait3A_135 = arith.constant 0 : i32
    %dma_wait3A_136 = tpu.memref_slice %arg6[%dma_wait3A_131, %dma_wait3A_135] : memref<4x128xi32, #tpu.memory_space<vmem>> -> memref<1x128xi32, #tpu.memory_space<vmem>>
    %dma_wait3A_137 = tpu.memref_squeeze %dma_wait3A_136 : memref<1x128xi32, #tpu.memory_space<vmem>> -> memref<128xi32, #tpu.memory_space<vmem>>
    %dma_wait3A_138 = arith.constant 0 : i32
    %dma_wait3A_139 = arith.constant 0 : i32
    %dma_wait3A_140 = tpu.memref_slice %arg3[%dma_wait3A_138, %dma_wait3A_139] : memref<57344x128xf32, #tpu.memory_space<hbm>> -> memref<57344x128xf32, #tpu.memory_space<hbm>>
    tpu.wait_indirect_dma semaphore(%arg10 : memref<!tpu.dma_semaphore, #tpu.memory_space<semaphore_mem>>) src(%dma_wait3A_140 : memref<57344x128xf32, #tpu.memory_space<hbm>>) dst(%dma_wait3A_134 : memref<128x128xf32, #tpu.memory_space<vmem>>)
    %dma_wait3A_141 = arith.constant 1 : i32
    %dma_wait3A_142 = arith.constant 128 : i32
    %dma_wait3A_143 = arith.constant 0 : i32
    %dma_wait3A_144 = tpu.memref_slice %arg8[%dma_wait3A_142, %dma_wait3A_143] : memref<512x128xf32, #tpu.memory_space<vmem>> -> memref<128x128xf32, #tpu.memory_space<vmem>>
    %dma_wait3A_145 = arith.constant 0 : i32
    %dma_wait3A_146 = tpu.memref_slice %arg6[%dma_wait3A_141, %dma_wait3A_145] : memref<4x128xi32, #tpu.memory_space<vmem>> -> memref<1x128xi32, #tpu.memory_space<vmem>>
    %dma_wait3A_147 = tpu.memref_squeeze %dma_wait3A_146 : memref<1x128xi32, #tpu.memory_space<vmem>> -> memref<128xi32, #tpu.memory_space<vmem>>
    %dma_wait3A_148 = arith.constant 0 : i32
    %dma_wait3A_149 = arith.constant 0 : i32
    %dma_wait3A_150 = tpu.memref_slice %arg3[%dma_wait3A_148, %dma_wait3A_149] : memref<57344x128xf32, #tpu.memory_space<hbm>> -> memref<57344x128xf32, #tpu.memory_space<hbm>>
    tpu.wait_indirect_dma semaphore(%arg10 : memref<!tpu.dma_semaphore, #tpu.memory_space<semaphore_mem>>) src(%dma_wait3A_150 : memref<57344x128xf32, #tpu.memory_space<hbm>>) dst(%dma_wait3A_144 : memref<128x128xf32, #tpu.memory_space<vmem>>)
    %dma_wait3A_151 = arith.constant 2 : i32
    %dma_wait3A_152 = arith.constant 256 : i32
    %dma_wait3A_153 = arith.constant 0 : i32
    %dma_wait3A_154 = tpu.memref_slice %arg8[%dma_wait3A_152, %dma_wait3A_153] : memref<512x128xf32, #tpu.memory_space<vmem>> -> memref<128x128xf32, #tpu.memory_space<vmem>>
    %dma_wait3A_155 = arith.constant 0 : i32
    %dma_wait3A_156 = tpu.memref_slice %arg6[%dma_wait3A_151, %dma_wait3A_155] : memref<4x128xi32, #tpu.memory_space<vmem>> -> memref<1x128xi32, #tpu.memory_space<vmem>>
    %dma_wait3A_157 = tpu.memref_squeeze %dma_wait3A_156 : memref<1x128xi32, #tpu.memory_space<vmem>> -> memref<128xi32, #tpu.memory_space<vmem>>
    %dma_wait3A_158 = arith.constant 0 : i32
    %dma_wait3A_159 = arith.constant 0 : i32
    %dma_wait3A_160 = tpu.memref_slice %arg3[%dma_wait3A_158, %dma_wait3A_159] : memref<57344x128xf32, #tpu.memory_space<hbm>> -> memref<57344x128xf32, #tpu.memory_space<hbm>>
    tpu.wait_indirect_dma semaphore(%arg10 : memref<!tpu.dma_semaphore, #tpu.memory_space<semaphore_mem>>) src(%dma_wait3A_160 : memref<57344x128xf32, #tpu.memory_space<hbm>>) dst(%dma_wait3A_154 : memref<128x128xf32, #tpu.memory_space<vmem>>)
    %dma_wait3A_161 = arith.constant 3 : i32
    %dma_wait3A_162 = arith.constant 384 : i32
    %dma_wait3A_163 = arith.constant 0 : i32
    %dma_wait3A_164 = tpu.memref_slice %arg8[%dma_wait3A_162, %dma_wait3A_163] : memref<512x128xf32, #tpu.memory_space<vmem>> -> memref<128x128xf32, #tpu.memory_space<vmem>>
    %dma_wait3A_165 = arith.constant 0 : i32
    %dma_wait3A_166 = tpu.memref_slice %arg6[%dma_wait3A_161, %dma_wait3A_165] : memref<4x128xi32, #tpu.memory_space<vmem>> -> memref<1x128xi32, #tpu.memory_space<vmem>>
    %dma_wait3A_167 = tpu.memref_squeeze %dma_wait3A_166 : memref<1x128xi32, #tpu.memory_space<vmem>> -> memref<128xi32, #tpu.memory_space<vmem>>
    %dma_wait3A_168 = arith.constant 0 : i32
    %dma_wait3A_169 = arith.constant 0 : i32
    %dma_wait3A_170 = tpu.memref_slice %arg3[%dma_wait3A_168, %dma_wait3A_169] : memref<57344x128xf32, #tpu.memory_space<hbm>> -> memref<57344x128xf32, #tpu.memory_space<hbm>>
    tpu.wait_indirect_dma semaphore(%arg10 : memref<!tpu.dma_semaphore, #tpu.memory_space<semaphore_mem>>) src(%dma_wait3A_170 : memref<57344x128xf32, #tpu.memory_space<hbm>>) dst(%dma_wait3A_164 : memref<128x128xf32, #tpu.memory_space<vmem>>)
    "tpu.region"() ({
      %run_scoped3A = tpu.sem_alloc : memref<!tpu.dma_semaphore, #tpu.memory_space<semaphore_mem>>
      %dma_start3A_171 = arith.constant 0 : i32
      %dma_start3A_172 = tpu.memref_slice %arg5[%mul3A_2, %dma_start3A_171] : memref<16384x256xf32, #tpu.memory_space<hbm>> -> memref<512x128xf32, #tpu.memory_space<hbm>>
      %dma_start3A_173 = arith.constant 0 : i32
      %dma_start3A_174 = tpu.memref_slice %arg5[%mul3A_2, %dma_start3A_173] : memref<16384x256xf32, #tpu.memory_space<hbm>> -> memref<512x128xf32, #tpu.memory_space<hbm>>
      tpu.enqueue_dma source(%arg8 : memref<512x128xf32, #tpu.memory_space<vmem>>) target(%dma_start3A_174 : memref<512x128xf32, #tpu.memory_space<hbm>>) target_semaphore(%run_scoped3A : memref<!tpu.dma_semaphore, #tpu.memory_space<semaphore_mem>>)
      %dma_wait3A_175 = arith.constant 0 : i32
      %dma_wait3A_176 = tpu.memref_slice %arg5[%mul3A_2, %dma_wait3A_175] : memref<16384x256xf32, #tpu.memory_space<hbm>> -> memref<512x128xf32, #tpu.memory_space<hbm>>
      %dma_wait3A_177 = arith.constant 0 : i32
      %dma_wait3A_178 = tpu.memref_slice %arg5[%mul3A_2, %dma_wait3A_177] : memref<16384x256xf32, #tpu.memory_space<hbm>> -> memref<512x128xf32, #tpu.memory_space<hbm>>
      tpu.wait_dma2 semaphore(%run_scoped3A : memref<!tpu.dma_semaphore, #tpu.memory_space<semaphore_mem>>) src(%arg8 : memref<512x128xf32, #tpu.memory_space<vmem>>) dst(%dma_wait3A_178 : memref<512x128xf32, #tpu.memory_space<hbm>>)
      tpu.yield
    }) : () -> ()
    return
  }
}

module attributes {stable_mosaic.version = 14 : i64} {
  func.func @_repack_body(%arg0: i32, %arg1: memref<64x8192xf32, #tpu.memory_space<vmem>>, %arg2: memref<64x8192xf32, #tpu.memory_space<vmem>>, %arg3: memref<8192x128xf32, #tpu.memory_space<vmem>>) attributes {dimension_semantics = [#tpu.dimension_semantics<arbitrary>], iteration_bounds = array<i64: 7>, scalar_prefetch = 0 : i64, scratch_operands = 0 : i64, tpu.core_type = #tpu.core_type<tc>, window_params = [{transform_indices = @transform_0, window_bounds = array<i64: 64, 8192>}, {transform_indices = @transform_1, window_bounds = array<i64: 64, 8192>}, {transform_indices = @transform_2, window_bounds = array<i64: 8192, 128>}]} {
    %get3A = arith.constant 0 : index
    %get3A_0 = arith.constant 0 : index
    %get3A_1 = vector.load %arg1[%get3A, %get3A_0] : memref<64x8192xf32, #tpu.memory_space<vmem>>, vector<64x8192xf32>
    %transpose3A = tpu.transpose %get3A_1, [1, 0] : vector<64x8192xf32> -> vector<8192x64xf32>
    %get3A_2 = arith.constant 0 : index
    %get3A_3 = arith.constant 0 : index
    %get3A_4 = vector.load %arg2[%get3A_2, %get3A_3] : memref<64x8192xf32, #tpu.memory_space<vmem>>, vector<64x8192xf32>
    %transpose3A_5 = tpu.transpose %get3A_4, [1, 0] : vector<64x8192xf32> -> vector<8192x64xf32>
    %concatenate3A = tpu.concatenate %transpose3A, %transpose3A_5 in 1 : vector<8192x64xf32>, vector<8192x64xf32> -> vector<8192x128xf32>
    %swap3A = arith.constant 0 : index
    %swap3A_6 = arith.constant 0 : index
    %swap3A_7 = vector.load %arg3[%swap3A, %swap3A_6] : memref<8192x128xf32, #tpu.memory_space<vmem>>, vector<8192x128xf32>
    tpu.vector_store %arg3[%swap3A, %swap3A_6], %concatenate3A {strides = array<i32>} : memref<8192x128xf32, #tpu.memory_space<vmem>>, vector<8192x128xf32>,
    return
  }
  func.func @transform_0(%arg0: i32) -> (i32, i32) {
    %c0_i32 = arith.constant 0 : i32
    %c0_i32_0 = arith.constant 0 : i32
    return %c0_i32, %arg0 : i32, i32
  }
  func.func @transform_1(%arg0: i32) -> (i32, i32) {
    %add3A = arith.constant 7 : i32
    %add3A_0 = arith.addi %arg0, %add3A : i32
    %min3A = arith.constant 12 : i32
    %min3A_1 = arith.minsi %add3A_0, %min3A : i32
    %c0_i32 = arith.constant 0 : i32
    %c0_i32_2 = arith.constant 0 : i32
    return %c0_i32, %min3A_1 : i32, i32
  }
  func.func @transform_2(%arg0: i32) -> (i32, i32) {
    %c0_i32 = arith.constant 0 : i32
    %c0_i32_0 = arith.constant 0 : i32
    return %arg0, %c0_i32 : i32, i32
  }
}

module attributes {stable_mosaic.version = 14 : i64} {
  func.func @_mlp_body(%arg0: i32, %arg1: memref<2048x256xf32, #tpu.memory_space<vmem>>, %arg2: memref<2048x1xf32, #tpu.memory_space<vmem>>, %arg3: memref<16x2048xf32, #tpu.memory_space<vmem>>, %arg4: memref<128x256xf32, #tpu.memory_space<vmem>>, %arg5: memref<128x256xf32, #tpu.memory_space<vmem>>, %arg6: memref<128x256xf32, #tpu.memory_space<vmem>>, %arg7: memref<16x96xf32, #tpu.memory_space<vmem>>, %arg8: memref<1x96xf32, #tpu.memory_space<vmem>>, %arg9: memref<224x256xf32, #tpu.memory_space<vmem>>, %arg10: memref<1x256xf32, #tpu.memory_space<vmem>>, %arg11: memref<256x128xf32, #tpu.memory_space<vmem>>, %arg12: memref<1x128xf32, #tpu.memory_space<vmem>>, %arg13: memref<128x32xf32, #tpu.memory_space<vmem>>, %arg14: memref<1x32xf32, #tpu.memory_space<vmem>>, %arg15: memref<32x2048xf32, #tpu.memory_space<vmem>>) attributes {dimension_semantics = [#tpu.dimension_semantics<arbitrary>], iteration_bounds = array<i64: 8>, scalar_prefetch = 0 : i64, scratch_operands = 0 : i64, tpu.core_type = #tpu.core_type<tc>, window_params = [{transform_indices = @transform_0, window_bounds = array<i64: 2048, 256>}, {transform_indices = @transform_1, window_bounds = array<i64: 2048, 1>}, {transform_indices = @transform_2, window_bounds = array<i64: 16, 2048>}, {pipeline_mode = #tpu.pipeline_mode<synchronous>, transform_indices = @transform_3, window_bounds = array<i64: 128, 256>}, {pipeline_mode = #tpu.pipeline_mode<synchronous>, transform_indices = @transform_4, window_bounds = array<i64: 128, 256>}, {pipeline_mode = #tpu.pipeline_mode<synchronous>, transform_indices = @transform_5, window_bounds = array<i64: 128, 256>}, {pipeline_mode = #tpu.pipeline_mode<synchronous>, transform_indices = @transform_6, window_bounds = array<i64: 16, 96>}, {pipeline_mode = #tpu.pipeline_mode<synchronous>, transform_indices = @transform_7, window_bounds = array<i64: 1, 96>}, {pipeline_mode = #tpu.pipeline_mode<synchronous>, transform_indices = @transform_8, window_bounds = array<i64: 224, 256>}, {pipeline_mode = #tpu.pipeline_mode<synchronous>, transform_indices = @transform_9, window_bounds = array<i64: 1, 256>}, {pipeline_mode = #tpu.pipeline_mode<synchronous>, transform_indices = @transform_10, window_bounds = array<i64: 256, 128>}, {pipeline_mode = #tpu.pipeline_mode<synchronous>, transform_indices = @transform_11, window_bounds = array<i64: 1, 128>}, {pipeline_mode = #tpu.pipeline_mode<synchronous>, transform_indices = @transform_12, window_bounds = array<i64: 128, 32>}, {pipeline_mode = #tpu.pipeline_mode<synchronous>, transform_indices = @transform_13, window_bounds = array<i64: 1, 32>}, {transform_indices = @transform_14, window_bounds = array<i64: 32, 2048>}]} {
    %get3A = arith.constant 0 : index
    %get3A_0 = arith.constant 0 : index
    %get3A_1 = vector.load %arg3[%get3A, %get3A_0] : memref<16x2048xf32, #tpu.memory_space<vmem>>, vector<16x2048xf32>
    %get3A_2 = arith.constant 0 : index
    %get3A_3 = arith.constant 0 : index
    %get3A_4 = vector.load %arg7[%get3A_2, %get3A_3] : memref<16x96xf32, #tpu.memory_space<vmem>>, vector<16x96xf32>
    %dot_general3A = arith.constant dense<0.000000e+00> : vector<2048x96xf32>
    %dot_general3A_5 = tpu.matmul %get3A_1, %get3A_4, %dot_general3A {dimension_numbers = #tpu.dot_dimension_numbers<[0], [0], [1], [1], [0, 1, 1, 1], [], []>, transpose_lhs_hint = false} : vector<16x2048xf32>, vector<16x96xf32>, vector<2048x96xf32> -> vector<2048x96xf32>
    %get3A_6 = arith.constant 0 : index
    %get3A_7 = arith.constant 0 : index
    %get3A_8 = vector.load %arg8[%get3A_6, %get3A_7] : memref<1x96xf32, #tpu.memory_space<vmem>>, vector<1x96xf32>
    %add3A = vector.broadcast %get3A_8 : vector<1x96xf32> to vector<2048x96xf32>
    %add3A_9 = arith.addf %dot_general3A_5, %add3A : vector<2048x96xf32>
    %get3A_10 = arith.constant 0 : index
    %get3A_11 = arith.constant 0 : index
    %get3A_12 = vector.load %arg1[%get3A_10, %get3A_11] : memref<2048x256xf32, #tpu.memory_space<vmem>>, vector<2048x256xf32>
    %slice3A = vector.extract_strided_slice %get3A_12 {offsets = [0, 0], sizes = [2048, 128], strides = [1, 1]} : vector<2048x256xf32> to vector<2048x128xf32>
    %convert_element_type3A = arith.truncf %slice3A : vector<2048x128xf32> to vector<2048x128xbf16>
    %slice3A_13 = vector.extract_strided_slice %get3A_12 {offsets = [0, 128], sizes = [2048, 128], strides = [1, 1]} : vector<2048x256xf32> to vector<2048x128xf32>
    %convert_element_type3A_14 = arith.truncf %slice3A_13 : vector<2048x128xf32> to vector<2048x128xbf16>
    %get3A_15 = arith.constant 0 : index
    %get3A_16 = arith.constant 0 : index
    %get3A_17 = vector.load %arg4[%get3A_15, %get3A_16] : memref<128x256xf32, #tpu.memory_space<vmem>>, vector<128x256xf32>
    %convert_element_type3A_18 = arith.truncf %get3A_17 : vector<128x256xf32> to vector<128x256xbf16>
    %dot_general3A_19 = arith.constant dense<0.000000e+00> : vector<2048x256xf32>
    %dot_general3A_20 = tpu.matmul %convert_element_type3A, %convert_element_type3A_18, %dot_general3A_19 {dimension_numbers = #tpu.dot_dimension_numbers<[1], [0], [0], [1], [0, 0, 1, 1], [], []>, transpose_lhs_hint = false} : vector<2048x128xbf16>, vector<128x256xbf16>, vector<2048x256xf32> -> vector<2048x256xf32>
    %get3A_21 = arith.constant 0 : index
    %get3A_22 = arith.constant 0 : index
    %get3A_23 = vector.load %arg5[%get3A_21, %get3A_22] : memref<128x256xf32, #tpu.memory_space<vmem>>, vector<128x256xf32>
    %convert_element_type3A_24 = arith.truncf %get3A_23 : vector<128x256xf32> to vector<128x256xbf16>
    %dot_general3A_25 = arith.constant dense<0.000000e+00> : vector<2048x256xf32>
    %dot_general3A_26 = tpu.matmul %convert_element_type3A, %convert_element_type3A_24, %dot_general3A_25 {dimension_numbers = #tpu.dot_dimension_numbers<[1], [0], [0], [1], [0, 0, 1, 1], [], []>, transpose_lhs_hint = false} : vector<2048x128xbf16>, vector<128x256xbf16>, vector<2048x256xf32> -> vector<2048x256xf32>
    %get3A_27 = arith.constant 0 : index
    %get3A_28 = arith.constant 0 : index
    %get3A_29 = vector.load %arg2[%get3A_27, %get3A_28] : memref<2048x1xf32, #tpu.memory_space<vmem>>, vector<2048x1xf32>
    %gt3A = arith.constant 5.000000e-01 : f32
    %gt3A_30 = vector.broadcast %gt3A : f32 to vector<2048x1xf32>
    %gt3A_31 = arith.cmpf ogt, %get3A_29, %gt3A_30 : vector<2048x1xf32>
    %broadcast_in_dim3A = vector.shape_cast %gt3A_31 : vector<2048x1xi1> to vector<2048x1xi1>
    %broadcast_in_dim3A_32 = vector.broadcast %broadcast_in_dim3A : vector<2048x1xi1> to vector<2048x256xi1>
    %select_n3A = arith.select %broadcast_in_dim3A_32, %dot_general3A_26, %dot_general3A_20 : vector<2048x256xi1>, vector<2048x256xf32>
    %get3A_33 = arith.constant 0 : index
    %get3A_34 = arith.constant 0 : index
    %get3A_35 = vector.load %arg6[%get3A_33, %get3A_34] : memref<128x256xf32, #tpu.memory_space<vmem>>, vector<128x256xf32>
    %convert_element_type3A_36 = arith.truncf %get3A_35 : vector<128x256xf32> to vector<128x256xbf16>
    %dot_general3A_37 = arith.constant dense<0.000000e+00> : vector<2048x256xf32>
    %dot_general3A_38 = tpu.matmul %convert_element_type3A_14, %convert_element_type3A_36, %dot_general3A_37 {dimension_numbers = #tpu.dot_dimension_numbers<[1], [0], [0], [1], [0, 0, 1, 1], [], []>, transpose_lhs_hint = false} : vector<2048x128xbf16>, vector<128x256xbf16>, vector<2048x256xf32> -> vector<2048x256xf32>
    %add3A_39 = arith.addf %select_n3A, %dot_general3A_38 : vector<2048x256xf32>
    %convert_element_type3A_40 = arith.truncf %add3A_9 : vector<2048x96xf32> to vector<2048x96xbf16>
    %get3A_41 = arith.constant 128 : index
    %get3A_42 = arith.constant 0 : index
    %get3A_43 = vector.load %arg9[%get3A_41, %get3A_42] : memref<224x256xf32, #tpu.memory_space<vmem>>, vector<96x256xf32>
    %convert_element_type3A_44 = arith.truncf %get3A_43 : vector<96x256xf32> to vector<96x256xbf16>
    %dot_general3A_45 = arith.constant dense<0.000000e+00> : vector<2048x256xf32>
    %dot_general3A_46 = tpu.matmul %convert_element_type3A_40, %convert_element_type3A_44, %dot_general3A_45 {dimension_numbers = #tpu.dot_dimension_numbers<[1], [0], [0], [1], [0, 0, 1, 1], [], []>, transpose_lhs_hint = false} : vector<2048x96xbf16>, vector<96x256xbf16>, vector<2048x256xf32> -> vector<2048x256xf32>
    %add3A_47 = arith.addf %add3A_39, %dot_general3A_46 : vector<2048x256xf32>
    %get3A_48 = arith.constant 0 : index
    %get3A_49 = arith.constant 0 : index
    %get3A_50 = vector.load %arg10[%get3A_48, %get3A_49] : memref<1x256xf32, #tpu.memory_space<vmem>>, vector<1x256xf32>
    %add3A_51 = vector.broadcast %get3A_50 : vector<1x256xf32> to vector<2048x256xf32>
    %add3A_52 = arith.addf %add3A_47, %add3A_51 : vector<2048x256xf32>
    %max3A = arith.constant 0.000000e+00 : f32
    %max3A_53 = vector.broadcast %max3A : f32 to vector<2048x256xf32>
    %max3A_54 = arith.maximumf %add3A_52, %max3A_53 : vector<2048x256xf32>
    %convert_element_type3A_55 = arith.truncf %max3A_54 : vector<2048x256xf32> to vector<2048x256xbf16>
    %get3A_56 = arith.constant 0 : index
    %get3A_57 = arith.constant 0 : index
    %get3A_58 = vector.load %arg11[%get3A_56, %get3A_57] : memref<256x128xf32, #tpu.memory_space<vmem>>, vector<256x128xf32>
    %convert_element_type3A_59 = arith.truncf %get3A_58 : vector<256x128xf32> to vector<256x128xbf16>
    %dot_general3A_60 = arith.constant dense<0.000000e+00> : vector<2048x128xf32>
    %dot_general3A_61 = tpu.matmul %convert_element_type3A_55, %convert_element_type3A_59, %dot_general3A_60 {dimension_numbers = #tpu.dot_dimension_numbers<[1], [0], [0], [1], [0, 0, 1, 1], [], []>, transpose_lhs_hint = false} : vector<2048x256xbf16>, vector<256x128xbf16>, vector<2048x128xf32> -> vector<2048x128xf32>
    %get3A_62 = arith.constant 0 : index
    %get3A_63 = arith.constant 0 : index
    %get3A_64 = vector.load %arg12[%get3A_62, %get3A_63] : memref<1x128xf32, #tpu.memory_space<vmem>>, vector<1x128xf32>
    %add3A_65 = vector.broadcast %get3A_64 : vector<1x128xf32> to vector<2048x128xf32>
    %add3A_66 = arith.addf %dot_general3A_61, %add3A_65 : vector<2048x128xf32>
    %max3A_67 = arith.constant 0.000000e+00 : f32
    %max3A_68 = vector.broadcast %max3A_67 : f32 to vector<2048x128xf32>
    %max3A_69 = arith.maximumf %add3A_66, %max3A_68 : vector<2048x128xf32>
    %convert_element_type3A_70 = arith.truncf %max3A_69 : vector<2048x128xf32> to vector<2048x128xbf16>
    %get3A_71 = arith.constant 0 : index
    %get3A_72 = arith.constant 0 : index
    %get3A_73 = vector.load %arg13[%get3A_71, %get3A_72] : memref<128x32xf32, #tpu.memory_space<vmem>>, vector<128x32xf32>
    %convert_element_type3A_74 = arith.truncf %get3A_73 : vector<128x32xf32> to vector<128x32xbf16>
    %dot_general3A_75 = arith.constant dense<0.000000e+00> : vector<2048x32xf32>
    %dot_general3A_76 = tpu.matmul %convert_element_type3A_70, %convert_element_type3A_74, %dot_general3A_75 {dimension_numbers = #tpu.dot_dimension_numbers<[1], [0], [0], [1], [0, 0, 1, 1], [], []>, transpose_lhs_hint = false} : vector<2048x128xbf16>, vector<128x32xbf16>, vector<2048x32xf32> -> vector<2048x32xf32>
    %get3A_77 = arith.constant 0 : index
    %get3A_78 = arith.constant 0 : index
    %get3A_79 = vector.load %arg14[%get3A_77, %get3A_78] : memref<1x32xf32, #tpu.memory_space<vmem>>, vector<1x32xf32>
    %add3A_80 = vector.broadcast %get3A_79 : vector<1x32xf32> to vector<2048x32xf32>
    %add3A_81 = arith.addf %dot_general3A_76, %add3A_80 : vector<2048x32xf32>
    %transpose3A = tpu.transpose %add3A_81, [1, 0] : vector<2048x32xf32> -> vector<32x2048xf32>
    %swap3A = arith.constant 0 : index
    %swap3A_82 = arith.constant 0 : index
    %swap3A_83 = vector.load %arg15[%swap3A, %swap3A_82] : memref<32x2048xf32, #tpu.memory_space<vmem>>, vector<32x2048xf32>
    tpu.vector_store %arg15[%swap3A, %swap3A_82], %transpose3A {strides = array<i32>} : memref<32x2048xf32, #tpu.memory_space<vmem>>, vector<32x2048xf32>,
    return
  }
  func.func @transform_0(%arg0: i32) -> (i32, i32) {
    %c0_i32 = arith.constant 0 : i32
    %c0_i32_0 = arith.constant 0 : i32
    return %arg0, %c0_i32 : i32, i32
  }
  func.func @transform_1(%arg0: i32) -> (i32, i32) {
    %c0_i32 = arith.constant 0 : i32
    %c0_i32_0 = arith.constant 0 : i32
    return %arg0, %c0_i32 : i32, i32
  }
  func.func @transform_2(%arg0: i32) -> (i32, i32) {
    %c0_i32 = arith.constant 0 : i32
    %c0_i32_0 = arith.constant 0 : i32
    return %c0_i32, %arg0 : i32, i32
  }
  func.func @transform_3(%arg0: i32) -> (i32, i32) {
    %c0_i32 = arith.constant 0 : i32
    %c0_i32_0 = arith.constant 0 : i32
    %c0_i32_1 = arith.constant 0 : i32
    return %c0_i32, %c0_i32_0 : i32, i32
  }
  func.func @transform_4(%arg0: i32) -> (i32, i32) {
    %c0_i32 = arith.constant 0 : i32
    %c0_i32_0 = arith.constant 0 : i32
    %c0_i32_1 = arith.constant 0 : i32
    return %c0_i32, %c0_i32_0 : i32, i32
  }
  func.func @transform_5(%arg0: i32) -> (i32, i32) {
    %c0_i32 = arith.constant 0 : i32
    %c0_i32_0 = arith.constant 0 : i32
    %c0_i32_1 = arith.constant 0 : i32
    return %c0_i32, %c0_i32_0 : i32, i32
  }
  func.func @transform_6(%arg0: i32) -> (i32, i32) {
    %c0_i32 = arith.constant 0 : i32
    %c0_i32_0 = arith.constant 0 : i32
    %c0_i32_1 = arith.constant 0 : i32
    return %c0_i32, %c0_i32_0 : i32, i32
  }
  func.func @transform_7(%arg0: i32) -> (i32, i32) {
    %c0_i32 = arith.constant 0 : i32
    %c0_i32_0 = arith.constant 0 : i32
    %c0_i32_1 = arith.constant 0 : i32
    return %c0_i32, %c0_i32_0 : i32, i32
  }
  func.func @transform_8(%arg0: i32) -> (i32, i32) {
    %c0_i32 = arith.constant 0 : i32
    %c0_i32_0 = arith.constant 0 : i32
    %c0_i32_1 = arith.constant 0 : i32
    return %c0_i32, %c0_i32_0 : i32, i32
  }
  func.func @transform_9(%arg0: i32) -> (i32, i32) {
    %c0_i32 = arith.constant 0 : i32
    %c0_i32_0 = arith.constant 0 : i32
    %c0_i32_1 = arith.constant 0 : i32
    return %c0_i32, %c0_i32_0 : i32, i32
  }
  func.func @transform_10(%arg0: i32) -> (i32, i32) {
    %c0_i32 = arith.constant 0 : i32
    %c0_i32_0 = arith.constant 0 : i32
    %c0_i32_1 = arith.constant 0 : i32
    return %c0_i32, %c0_i32_0 : i32, i32
  }
  func.func @transform_11(%arg0: i32) -> (i32, i32) {
    %c0_i32 = arith.constant 0 : i32
    %c0_i32_0 = arith.constant 0 : i32
    %c0_i32_1 = arith.constant 0 : i32
    return %c0_i32, %c0_i32_0 : i32, i32
  }
  func.func @transform_12(%arg0: i32) -> (i32, i32) {
    %c0_i32 = arith.constant 0 : i32
    %c0_i32_0 = arith.constant 0 : i32
    %c0_i32_1 = arith.constant 0 : i32
    return %c0_i32, %c0_i32_0 : i32, i32
  }
  func.func @transform_13(%arg0: i32) -> (i32, i32) {
    %c0_i32 = arith.constant 0 : i32
    %c0_i32_0 = arith.constant 0 : i32
    %c0_i32_1 = arith.constant 0 : i32
    return %c0_i32, %c0_i32_0 : i32, i32
  }
  func.func @transform_14(%arg0: i32) -> (i32, i32) {
    %c0_i32 = arith.constant 0 : i32
    %c0_i32_0 = arith.constant 0 : i32
    return %c0_i32, %arg0 : i32, i32
  }
}

</mosaic_0001>

<sc_bundles>
// kernel: kernel.5.cloned.1.call-start
scs
__scs_entry_jumppad:
0x0: {  	(pc) =	sbr.rel $0x88, $3  }
0x1: {  	(tag) =	ssettag $0x0;
	lr =	simm.s32 $0x1  }
0x2: {  	[smem:$0x3F8E] =	sst lr;
	_ =	strace $0xD0000000  }
0x3: {  	_ = 	snop  }
0x4: {  	_ = 	snop  }
0x5: {  	_ = 	snop  }
0x6: {  	_ = 	snop  }
0x7: {  	_ = 	snop  }
__scs_overlays_trampoline_lowered:
0x8: {  	[smem:$0x3F9D] =	sst s0  }
0x9: {  	[smem:$0x3F9E] =	sst s1  }
0xa: {  	[smem:$0x3F9F] =	sst s2  }
0xb: {  	[smem:$0x3FA0] =	sst s3  }
0xc: {  	[smem:$0x3FA1] =	sst s4  }
0xd: {  	[smem:$0x3FA2] =	sst s5  }
0xe: {  	[smem:$0x3FA3] =	sst s6  }
0xf: {  	[smem:$0x3FA4] =	sst s7  }
0x10: {  	[smem:$0x3FA5] =	sst s8  }
0x11: {  	[smem:$0x3FA6] =	sst s9;
	s0 =	simm.s32 @!p0 $0x0  }
0x12: {  	s1 =	sld [smem:$0x3F8C];
	s0 =	simm.s32 @p0 $0x1  }
0x13: {  	[smem:$0x3FA7] =	sst s0;
	s0 =	simm.s32 @!p1 $0x0  }
0x14: {  	s2 =	sld [smem:$0x3F8B];
	s0 =	simm.s32 @p1 $0x1  }
0x15: {  	[smem:$0x3FA8] =	sst s0;
	s0 =	simm.s32 @!p2 $0x0  }
0x16: {  	s3 =	sld [smem:$0x3FDB];
	s0 =	simm.s32 @p2 $0x1  }
0x17: {  	s4 =	simm.s32 $0x1BF5;
	[smem:$0x3FAA] =	sst s0  }
0x18: {  	s0 =	sld [smem:$0x3F8D];
	_ =	swait.ge [sflag:s4], $0x0  }
0x19: {  	s7 =	sld [smem:$0x3F8E]  }
0x1a: {  	s8 =	sadd.s32 $0xFFFFE003, lr  }
0x1b: {  	s9 =	sadd.s32 $0xFFFFFEF7, lr;
	s5 =	simm.s32 $0xFFFFFFFF;
	p2 =	slt.u32 s8, $0xFFFFF086  }
0x1c: {  	p1 =	slt.u32 s9, $0xF7A;
	s5 =	simm.s32 @!p2 $0x0  }
0x1d: {  	s5 =	simm.s32 @p1 $0x1;
	p0 =	seq.s32 s7, s2  }
0x1e: {  	s7 =	smul.u32 @!p0 $0xF7A, s2;
	p2 =	seq.s32 @!p0 s5, $0x0  }
0x1f: {  	s9 =	smul.u32 $0xF7A, s1;
	s8 =	simm.s32 @!p0 $0x1BF5;
	p2 =	por !p2, p0  }
0x20: {  	[sflag:s8] =	ssyncset.s32 @!p0 $0xFFFFF086;
	s6 =	sadd.s32 @!p0 s3, s7;
	s7 =	simm.s32 @!p0 $0x108  }
0x21: {  	s3 =	sadd.s32 s3, s9;
	s6 =	sadd.s32 @!p0 $0x88, s6;
	s7 =	simm.s32 @p2 $0x1082  }
0x22: {  	[simem:s7], [sflag:s8] =	dma.local @!p0 [hbm:s6], $0xF7A  }
0x23: {  	s9 =	sor.u32 $0xD0000000, s2;
	s6 =	simm.s32 $0x108;
	_ =	swait.ge @!p0 [sflag:s8], $0x0  }
0x24: {  	s3 =	sadd.s32 $0x88, s3;
	s6 =	simm.s32 @!p1 $0x1082;
	[sflag:s4] =	ssyncset.s32 $0xFFFFF086  }
0x25: {  	[simem:s6], [sflag:s4] =	dma.local [hbm:s3], $0xF7A  }
0x26: {  	[smem:$0x3F8E] =	sst s1;
	(tag) =	ssettag s2;
	_ =	strace s9  }
0x27: {  	s1 =	sld [smem:$0x3F9E]  }
0x28: {  	s2 =	sld [smem:$0x3F9F]  }
0x29: {  	s4 =	sld [smem:$0x3FA1]  }
0x2a: {  	p0 =	seq.s32 s5, $0x0;
	s5 =	sld [smem:$0x3FA2]  }
0x2b: {  	s6 =	sld [smem:$0x3FA3]  }
0x2c: {  	s7 =	sld [smem:$0x3FA4]  }
0x2d: {  	s3 =	simm.s32 $0x108;
	s8 =	sld [smem:$0x3FA5]  }
0x2e: {  	s3 =	simm.s32 @!p0 $0x1082;
	s9 =	sld [smem:$0x3FA6]  }
0x2f: {  	lr =	sadd.s32 s0, s3;
	s0 =	sld [smem:$0x3F9D]  }
0x30: {  	s3 =	sld [smem:$0x3FA0]  }
0x31: {  	[smem:$0x3FA9] =	sst s10  }
0x32: {  	s10 =	sld [smem:$0x3FA7];
	_ =	sdelay $0x3  }
0x33: {  	p0 =	seq.s32 s10, $0x1;
	s10 =	sld [smem:$0x3FA9];
	_ =	sdelay $0x3  }
0x34: {  	[smem:$0x3FA9] =	sst s10  }
0x35: {  	s10 =	sld [smem:$0x3FA8];
	_ =	sdelay $0x3  }
0x36: {  	p1 =	seq.s32 s10, $0x1;
	s10 =	sld [smem:$0x3FA9];
	_ =	sdelay $0x3  }
0x37: {  	[smem:$0x3FA9] =	sst s10  }
0x38: {  	s10 =	sld [smem:$0x3FAA]  }
0x39: {  	_ = 	snop;
	(pc) =	sbr.ind lr, $3  }
0x3a: {  	_ = 	snop  }
0x3b: {  	_ = 	snop  }
0x3c: {  	p2 =	seq.s32 s10, $0x1;
	s10 =	sld [smem:$0x3FA9]  }
0x3d: {  	_ =	shalt  }
0x3e: {  	_ =	shalt  }
0x3f: {  	_ =	shalt  }
0x40: {  	_ =	shalt  }
0x41: {  	_ =	shalt  }
0x42: {  	_ =	shalt  }
0x43: {  	_ =	shalt  }
0x44: {  	_ =	shalt  }
0x45: {  	_ =	shalt  }
0x46: {  	_ =	shalt  }
0x47: {  	_ =	shalt  }
0x48: {  	_ =	shalt  }
0x49: {  	_ =	shalt  }
0x4a: {  	_ =	shalt  }
0x4b: {  	_ =	shalt  }
0x4c: {  	_ =	shalt  }
0x4d: {  	_ =	shalt  }
0x4e: {  	_ =	shalt  }
0x4f: {  	_ =	shalt  }
0x50: {  	_ =	shalt  }
0x51: {  	_ =	shalt  }
0x52: {  	_ =	shalt  }
0x53: {  	_ =	shalt  }
0x54: {  	_ =	shalt  }
0x55: {  	_ =	shalt  }
0x56: {  	_ =	shalt  }
0x57: {  	_ =	shalt  }
0x58: {  	_ =	shalt  }
0x59: {  	_ =	shalt  }
0x5a: {  	_ =	shalt  }
0x5b: {  	_ =	shalt  }
0x5c: {  	_ =	shalt  }
0x5d: {  	_ =	shalt  }
0x5e: {  	_ =	shalt  }
0x5f: {  	_ =	shalt  }
0x60: {  	_ =	shalt  }
0x61: {  	_ =	shalt  }
0x62: {  	_ =	shalt  }
0x63: {  	_ =	shalt  }
0x64: {  	_ =	shalt  }
0x65: {  	_ =	shalt  }
0x66: {  	_ =	shalt  }
0x67: {  	_ =	shalt  }
0x68: {  	_ =	shalt  }
0x69: {  	_ =	shalt  }
0x6a: {  	_ =	shalt  }
0x6b: {  	_ =	shalt  }
0x6c: {  	_ =	shalt  }
0x6d: {  	_ =	shalt  }
0x6e: {  	_ =	shalt  }
0x6f: {  	_ =	shalt  }
0x70: {  	_ =	shalt  }
0x71: {  	_ =	shalt  }
0x72: {  	_ =	shalt  }
0x73: {  	_ =	shalt  }
0x74: {  	_ =	shalt  }
0x75: {  	_ =	shalt  }
0x76: {  	_ =	shalt  }
0x77: {  	_ =	shalt  }
0x78: {  	_ =	shalt  }
0x79: {  	_ =	shalt  }
0x7a: {  	_ =	shalt  }
0x7b: {  	_ =	shalt  }
0x7c: {  	_ =	shalt  }
0x7d: {  	_ =	shalt  }
0x7e: {  	_ =	shalt  }
0x7f: {  	_ =	shalt  }
0x80: {  	_ =	shalt  }
0x81: {  	_ =	shalt  }
0x82: {  	_ =	shalt  }
0x83: {  	_ =	shalt  }
0x84: {  	_ =	shalt  }
0x85: {  	_ =	shalt  }
0x86: {  	_ =	shalt  }
0x87: {  	_ =	shalt  }
.Lfunc_end0:
.L_simem_size_0:
called_computation_lowered:
.L_overlay_start_0:
0x88: {  	s2 =	sld [smem:$0x3FD9]  }
0x89: {  	s3 =	sld [smem:$0x3FFE];
	_ =	sdelay $0x1  }
0x8a: {  	s1 =	srdreg.scid  }
0x8b: {  	s0 =	sand.u32 $0x1, s1  }
0x8c: {  	s17 =	sshll.u32 s0, $0xA;
	s2 =	sadd.s32 s3, s2  }
0x8d: {  	s2 =	sadd.s32 s2, s17  }
0x8e: {  	[smem:$0x3FB5] =	sst s2  }
0x8f: {  	_ = 	snop  }
0x90: {  	s2 =	sld [smem:$0x3FD0];
	(tm) =	ssettm $0x1  }
0x91: {  	s18 =	sld [smem:$0x3FFB];
	_ =	sdelay $0x3  }
0x92: {  	_ =	strace s18  }
0x93: {  	s3 =	sld [smem:$0x3FFC];
	_ =	sdelay $0x3  }
0x94: {  	_ =	strace s3  }
0x95: {  	s3 =	sld [smem:$0x3FFD];
	_ =	sdelay $0x3  }
0x96: {  	_ =	strace s3  }
0x97: {  	_ =	strace $0x8FFFFFFF  }
0x98: {  	s19 =	sld [smem:$0x3FDB];
	_ =	sdelay $0x1  }
0x99: {  	s4 =	simm.s32 $_scs_section_size  }
0x9a: {  	s5 =	simm.s32 $_size__tile_overlayer_lowered;
	s6 =	simm.s32 $_tile_overlayer_lowered  }
0x9b: {  	s22 =	simm.s32 $0x1BFF;
	s21 =	sshll.u32 s6, $0x1;
	s3 =	sadd.s32 s4, s19  }
0x9c: {  	s7 =	simm.s32 $0x0;
	s20 =	sshll.u32 s5, $0x1;
	s5 =	sadd.s32 s21, s3  }
0x9d: {  	[timem:s7], [sflag:s22] =	dma.local [hbm:s5], s20  }
0x9e: {  	_ =	swait.ge [sflag:s22], s20  }
0x9f: {  	s4 =	ssub.s32 $0x0, s20;
	[sflag:s22] =	ssyncset.done $0x0  }
0xa0: {  	[sflag:s22] =	ssyncadd.s32 s4;
	_ =	sdelay $0x1  }
0xa1: {  	s23 =	simm.s32 $0x1B8B  }
0xa2: {  	_ =	swait.ge [sflag:s23], $0x1  }
0xa3: {  	[sflag:s23] =	ssyncset.done $0x0  }
0xa4: {  	s25 =	simm.s32 $0x1B8E;
	s24 =	sld [smem:$0x3FFE];
	[sflag:s23] =	ssyncadd.s32 $0xFFFFFFFF  }
0xa5: {  	s26 =	simm.s32 $execute0_lowered;
	[smem:$0x3FD2] =	sst s25  }
0xa6: {  	s5 =	sshll.u32 s26, $0x1;
	_ =	strace $0x80000046;
	[dreg:$0x1] =	wrdreg $0xFFFFFFFF  }
0xa7: {  	s28 =	simm.s32 $_size_execute0_lowered;
	s3 =	sadd.s32 s3, s5;
	[dreg:$0x0] =	wrdreg $0x0  }
0xa8: {  	s5 =	sshll.u32 s28, $0x1;
	[dreg:$0x2] =	wrdreg s3  }
0xa9: {  	[dreg:$0x3] =	wrdreg s5  }
0xaa: {  	[dreg:$0x4] =	wrdreg $0xC0  }
0xab: {  	_ =	task [dreg:s7], $0x5FFFF  }
0xac: {  	[dreg:$0x1] =	wrdreg $0xFFFFFFFF  }
0xad: {  	[dreg:$0x0] =	wrdreg $0x60  }
0xae: {  	[dreg:$0x2] =	wrdreg s24  }
0xaf: {  	[dreg:$0x3] =	wrdreg s2  }
0xb0: {  	[dreg:$0x4] =	wrdreg $0x9  }
0xb1: {  	_ =	task.clear_ibuf [dreg:s7], $0x5FFFF;
	_ =	strace $0x90000046  }
0xb2: {  	s29 =	simm.s32 $0x9;
	_ =	strace $0x80000048  }
0xb3: {  	_ =	swait.ge [sflag:s29], $0x1  }
0xb4: {  	[sflag:s29] =	ssyncadd.s32 $0xFFFFFFFF  }
0xb5: {  	_ =	strace $0x90000048  }
0xb6: {  	_ =	sfence  }
0xb7: {  	s30 =	sld [smem:$0x0];
	_ =	sdelay $0x2  }
0xb8: {  	s31 =	sshll.u32 s1, $0xD;
	s1 =	sshrl.u32 s1, $0x2  }
0xb9: {  	s3 =	sand.u32 $0x4000, s31;
	s1 =	sadd.s32 s1, s30  }
0xba: {  	s0 =	sor.u32 s3, s0;
	s1 =	sshll.u32 s1, $0x11  }
0xbb: {  	s0 =	sor.u32 s1, s0  }
0xbc: {  	s0 =	sadd.s32 $0x8F2B, s0  }
0xbd: {  	[sflag:s0] =	ssyncadd.remote.s32 $0x1  }
0xbe: {  	_ =	sfence.sel $0xFFFF  }
0xbf: {  	[dreg:$0x0] =	wrdreg $0xFFFFFFFF;
	(pc) =	sbr.abs _section_cstart, $3  }
0xc0: {  	[dreg:$0x1] =	wrdreg $0xFFFFFFFF  }
0xc1: {  	_ =	task.clear_ibuf [dreg:s7], $0x2FFFF;
	_ =	strace $0x9FFFFFFF  }
0xc2: {  	(tm) =	ssettm $0x7FFFFFFF  }
0xc3: {  	_ =	shalt  }
tec
execute0_lowered:
.L_overlay_start_1:
0x0: {  	(tag) =	ssettag $0x1  }
0x1: {  	s1 =	srdreg.scid  }
0x2: {  	s20 =	rddreg [dreg:$0x0];
	s0 =	stileid.u32;
	s26 =	sand.u32 $0x1, s1  }
0x3: {  	s2 =	rddreg [dreg:$0x1];
	s4 =	sshll.u32 s0, $0x7;
	s5 =	sshll.u32 s26, $0x6  }
0x4: {  	s3 =	simm.s32 $0x0;
	s1 =	rddreg [dreg:$0x2];
	s4 =	sor.u32 s5, s4  }
0x5: {  	[smem:$0x7FF] =	sst s3;
	s6 =	sadd.s32 s4, s20  }
0x6: {  	_ =	strace $0x80000047;
	s4 =	simm.s32 $0x3;
	s5 =	sadd.s32 $0xE2C00, s6  }
0x7: {  	[tilespmem:s3], [sflag:$0x3] =	stream.linear.gather [hbm4b:s5+s3], $0x200, $0x38;
	[tilespmem:$0x18400] =	vst v63  }
0x8: {  	_ =	swait.ge [sflag:s4], $0x200  }
0x9: {  	[sflag:s4] =	ssyncset.done $0x0  }
0xa: {  	s7 =	simm.s32 $0x200;
	s6 =	sadd.s32 $0xE3400, s6;
	[sflag:s4] =	ssyncadd.s32 $0xFFFFFE00  }
0xb: {  	[tilespmem:s7], [sflag:$0x3] =	stream.linear.gather [hbm4b:s6+s3], $0x200, $0x38;
	[tilespmem:$0x18400] =	vst v63  }
0xc: {  	_ =	swait.ge [sflag:s4], $0x200  }
0xd: {  	s9 =	simm.s32 $0x80;
	[sflag:s4] =	ssyncset.done $0x0  }
0xe: {  	s10 =	simm.s32 $0x400;
	s8 =	sadd.s32 $0x2C00, s20;
	[sflag:s4] =	ssyncadd.s32 $0xFFFFFE00  }
0xf: {  	[tilespmem:s10], [sflag:$0x1] =	stream.indirect.gather [hbm4b:s8+s9], $0x80, s3, s9, $0xb8;
	[tilespmem:$0x18400] =	vst v63  }
0x10: {  	s11 =	simm.s32 $0x4400  }
0x11: {  	[tilespmem:s11], [sflag:$0x1] =	stream.indirect.gather [hbm4b:s8+s9], $0x80, s9, s9, $0xb8;
	[tilespmem:$0x18400] =	vst v63  }
0x12: {  	s12 =	simm.s32 $0x100;
	s13 =	simm.s32 $0x8400  }
0x13: {  	[tilespmem:s13], [sflag:$0x1] =	stream.indirect.gather [hbm4b:s8+s9], $0x80, s12, s9, $0xb8;
	[tilespmem:$0x18400] =	vst v63  }
0x14: {  	s14 =	simm.s32 $0x180;
	s15 =	simm.s32 $0xC400  }
0x15: {  	[tilespmem:s15], [sflag:$0x1] =	stream.indirect.gather [hbm4b:s8+s9], $0x80, s14, s9, $0xb8;
	[tilespmem:$0x18400] =	vst v63  }
0x16: {  	s16 =	simm.s32 $0x10400  }
0x17: {  	[tilespmem:s16], [sflag:$0x2] =	stream.indirect.gather [hbm4b:s2+s9], $0x80, s7, s9, $0xb8;
	[tilespmem:$0x18400] =	vst v63  }
0x18: {  	s17 =	simm.s32 $0x280;
	s18 =	simm.s32 $0x14400;
	s19 =	simm.s32 $0x2  }
0x19: {  	[tilespmem:s18], [sflag:$0x2] =	stream.indirect.gather [hbm4b:s2+s9], $0x80, s17, s9, $0xb8;
	[tilespmem:$0x18400] =	vst v63  }
0x1a: {  	_ =	swait.ge [sflag:s19], $0x4000  }
0x1b: {  	[sflag:s19] =	ssyncset.done $0x0  }
0x1c: {  	s21 =	sshll.u32 s0, $0xF;
	s22 =	sshll.u32 s26, $0xE;
	[sflag:s19] =	ssyncadd.s32 $0xFFFFC000  }
0x1d: {  	s21 =	sor.u32 s22, s21;
	_ =	swait.ge [sflag:s19], $0x4000  }
0x1e: {  	s28 =	sadd.s32 s21, s20;
	[sflag:s19] =	ssyncset.done $0x0  }
0x1f: {  	s21 =	simm.s32 $0x800;
	s20 =	sadd.s32 $0xE3C80, s28;
	[sflag:s19] =	ssyncadd.s32 $0xFFFFC000  }
0x20: {  	[hbm4b:s20+s10] =	stream.strided.scatter [tilespmem:s16], [sflag:$0x3], $0x8000, s21, s10, $0x38;
	[tilespmem:$0x18400] =	vst v63  }
0x21: {  	_ =	swait.ge [sflag:s4], $0x8000  }
0x22: {  	[sflag:s4] =	ssyncset.done $0x0  }
0x23: {  	s22 =	simm.s32 $0x300;
	[sflag:s4] =	ssyncadd.s32 $0xFFFF8000  }
0x24: {  	[tilespmem:s16], [sflag:$0x2] =	stream.indirect.gather [hbm4b:s2+s9], $0x80, s22, s9, $0xb8;
	[tilespmem:$0x18400] =	vst v63  }
0x25: {  	s23 =	simm.s32 $0x380  }
0x26: {  	[tilespmem:s18], [sflag:$0x2] =	stream.indirect.gather [hbm4b:s2+s9], $0x80, s23, s9, $0xb8;
	[tilespmem:$0x18400] =	vst v63  }
0x27: {  	_ =	swait.ge [sflag:s19], $0x4000  }
0x28: {  	[sflag:s19] =	ssyncset.done $0x0  }
0x29: {  	[sflag:s19] =	ssyncadd.s32 $0xFFFFC000  }
0x2a: {  	_ =	swait.ge [sflag:s19], $0x4000  }
0x2b: {  	[sflag:s19] =	ssyncset.done $0x0  }
0x2c: {  	s24 =	sadd.s32 $0xE5C80, s28;
	[sflag:s19] =	ssyncadd.s32 $0xFFFFC000  }
0x2d: {  	[hbm4b:s24+s10] =	stream.strided.scatter [tilespmem:s16], [sflag:$0x3], $0x8000, s21, s10, $0x38;
	[tilespmem:$0x18400] =	vst v63  }
0x2e: {  	_ =	swait.ge [sflag:s4], $0x8000  }
0x2f: {  	[sflag:s4] =	ssyncset.done $0x0  }
0x30: {  	s25 =	simm.s32 $0x1;
	[sflag:s4] =	ssyncadd.s32 $0xFFFF8000  }
0x31: {  	_ =	swait.ge [sflag:s25], $0x4000  }
0x32: {  	[sflag:s25] =	ssyncset.done $0x0  }
0x33: {  	[sflag:s25] =	ssyncadd.s32 $0xFFFFC000  }
0x34: {  	_ =	swait.ge [sflag:s25], $0x4000  }
0x35: {  	[sflag:s25] =	ssyncset.done $0x0  }
0x36: {  	s26 =	ssub.s32 $0x2, s26;
	[sflag:s25] =	ssyncadd.s32 $0xFFFFC000  }
0x37: {  	s29 =	sshrl.u32 s26, $0x1;
	_ =	swait.ge [sflag:s25], $0x4000  }
0x38: {  	s29 =	ssub.s32 s26, s29;
	[sflag:s25] =	ssyncset.done $0x0  }
0x39: {  	s26 =	sadd.s32 $0xE3C00, s28;
	s28 =	smax.u32 s29, $0x1;
	[sflag:s25] =	ssyncadd.s32 $0xFFFFC000  }
0x3a: {  	p0 =	sne.s32 s28, $0x1;
	_ =	swait.ge [sflag:s25], $0x4000  }
.Ltmp0:
0x3b: {  	[sflag:s25] =	ssyncset.done $0x0;
	(pc) =	sbr.rel @!p0 .LBB2_2-.Ltmp0, $4  }
0x3c: {  	[sflag:s25] =	ssyncadd.s32 $0xFFFFC000  }
0x3d: {  	[hbm4b:s26+s10] =	stream.strided.scatter [tilespmem:s10], [sflag:$0x3], $0x10000, s21, s10, $0x38;
	[tilespmem:$0x18400] =	vst v63  }
0x3e: {  	_ =	swait.ge [sflag:s4], $0x10000  }
0x3f: {  	s28 =	sadd.s32 $0xFFFFFFFF, s28;
	[sflag:s4] =	ssyncset.done $0x0  }
.LBB2_1:
0x40: {  	p0 =	sne.s32 s28, $0x1;
	s28 =	sadd.s32 $0xFFFFFFFF, s28;
	[sflag:s4] =	ssyncadd.s32 $0xFFFF0000  }
0x41: {  	[tilespmem:s3], [sflag:$0x3] =	stream.linear.gather [hbm4b:s5+s3], $0x200, $0x38;
	[tilespmem:$0x18400] =	vst v63  }
0x42: {  	_ =	swait.ge [sflag:s4], $0x200  }
0x43: {  	[sflag:s4] =	ssyncset.done $0x0  }
0x44: {  	[sflag:s4] =	ssyncadd.s32 $0xFFFFFE00  }
0x45: {  	[tilespmem:s7], [sflag:$0x3] =	stream.linear.gather [hbm4b:s6+s3], $0x200, $0x38;
	[tilespmem:$0x18400] =	vst v63  }
0x46: {  	_ =	swait.ge [sflag:s4], $0x200  }
0x47: {  	[sflag:s4] =	ssyncset.done $0x0  }
0x48: {  	[sflag:s4] =	ssyncadd.s32 $0xFFFFFE00  }
0x49: {  	[tilespmem:s10], [sflag:$0x1] =	stream.indirect.gather [hbm4b:s8+s9], $0x80, s3, s9, $0xb8;
	[tilespmem:$0x18400] =	vst v63  }
0x4a: {  	_ = 	snop  }
0x4b: {  	[tilespmem:s11], [sflag:$0x1] =	stream.indirect.gather [hbm4b:s8+s9], $0x80, s9, s9, $0xb8;
	[tilespmem:$0x18400] =	vst v63  }
0x4c: {  	_ = 	snop  }
0x4d: {  	[tilespmem:s13], [sflag:$0x1] =	stream.indirect.gather [hbm4b:s8+s9], $0x80, s12, s9, $0xb8;
	[tilespmem:$0x18400] =	vst v63  }
0x4e: {  	_ = 	snop  }
0x4f: {  	[tilespmem:s15], [sflag:$0x1] =	stream.indirect.gather [hbm4b:s8+s9], $0x80, s14, s9, $0xb8;
	[tilespmem:$0x18400] =	vst v63  }
0x50: {  	_ = 	snop  }
0x51: {  	[tilespmem:s16], [sflag:$0x2] =	stream.indirect.gather [hbm4b:s2+s9], $0x80, s7, s9, $0xb8;
	[tilespmem:$0x18400] =	vst v63  }
0x52: {  	_ = 	snop  }
0x53: {  	[tilespmem:s18], [sflag:$0x2] =	stream.indirect.gather [hbm4b:s2+s9], $0x80, s17, s9, $0xb8;
	[tilespmem:$0x18400] =	vst v63  }
0x54: {  	_ =	swait.ge [sflag:s19], $0x4000  }
0x55: {  	[sflag:s19] =	ssyncset.done $0x0  }
0x56: {  	[sflag:s19] =	ssyncadd.s32 $0xFFFFC000  }
0x57: {  	_ =	swait.ge [sflag:s19], $0x4000  }
0x58: {  	[sflag:s19] =	ssyncset.done $0x0  }
0x59: {  	[sflag:s19] =	ssyncadd.s32 $0xFFFFC000  }
0x5a: {  	[hbm4b:s20+s10] =	stream.strided.scatter [tilespmem:s16], [sflag:$0x3], $0x8000, s21, s10, $0x38;
	[tilespmem:$0x18400] =	vst v63  }
0x5b: {  	_ =	swait.ge [sflag:s4], $0x8000  }
0x5c: {  	[sflag:s4] =	ssyncset.done $0x0  }
0x5d: {  	[sflag:s4] =	ssyncadd.s32 $0xFFFF8000  }
0x5e: {  	[tilespmem:s16], [sflag:$0x2] =	stream.indirect.gather [hbm4b:s2+s9], $0x80, s22, s9, $0xb8;
	[tilespmem:$0x18400] =	vst v63  }
0x5f: {  	_ = 	snop  }
0x60: {  	[tilespmem:s18], [sflag:$0x2] =	stream.indirect.gather [hbm4b:s2+s9], $0x80, s23, s9, $0xb8;
	[tilespmem:$0x18400] =	vst v63  }
0x61: {  	_ =	swait.ge [sflag:s19], $0x4000  }
0x62: {  	[sflag:s19] =	ssyncset.done $0x0  }
0x63: {  	[sflag:s19] =	ssyncadd.s32 $0xFFFFC000  }
0x64: {  	_ =	swait.ge [sflag:s19], $0x4000  }
0x65: {  	[sflag:s19] =	ssyncset.done $0x0  }
0x66: {  	[sflag:s19] =	ssyncadd.s32 $0xFFFFC000  }
0x67: {  	[hbm4b:s24+s10] =	stream.strided.scatter [tilespmem:s16], [sflag:$0x3], $0x8000, s21, s10, $0x38;
	[tilespmem:$0x18400] =	vst v63  }
0x68: {  	_ =	swait.ge [sflag:s4], $0x8000  }
0x69: {  	[sflag:s4] =	ssyncset.done $0x0  }
0x6a: {  	[sflag:s4] =	ssyncadd.s32 $0xFFFF8000  }
0x6b: {  	_ =	swait.ge [sflag:s25], $0x4000  }
0x6c: {  	[sflag:s25] =	ssyncset.done $0x0  }
0x6d: {  	[sflag:s25] =	ssyncadd.s32 $0xFFFFC000  }
0x6e: {  	_ =	swait.ge [sflag:s25], $0x4000  }
0x6f: {  	[sflag:s25] =	ssyncset.done $0x0  }
0x70: {  	[sflag:s25] =	ssyncadd.s32 $0xFFFFC000  }
0x71: {  	_ =	swait.ge [sflag:s25], $0x4000  }
0x72: {  	[sflag:s25] =	ssyncset.done $0x0  }
0x73: {  	[sflag:s25] =	ssyncadd.s32 $0xFFFFC000  }
0x74: {  	_ =	swait.ge [sflag:s25], $0x4000  }
.Ltmp1:
0x75: {  	[sflag:s25] =	ssyncset.done $0x0;
	(pc) =	sbr.rel @p0 .LBB2_1-.Ltmp1, $4  }
0x76: {  	[sflag:s25] =	ssyncadd.s32 $0xFFFFC000  }
0x77: {  	[hbm4b:s26+s10] =	stream.strided.scatter [tilespmem:s10], [sflag:$0x3], $0x10000, s21, s10, $0x38;
	[tilespmem:$0x18400] =	vst v63  }
0x78: {  	_ =	swait.ge [sflag:s4], $0x10000  }
0x79: {  	[sflag:s4] =	ssyncset.done $0x0  }
.LBB2_2:
0x7a: {  	[sflag:s4] =	ssyncadd.s32 $0xFFFF0000  }
0x7b: {  	_ =	sfence.sel $0x180000  }
0x7c: {  	[bflag:$0x0] =	sbarrier.arrive $0xFFFF  }
0x7d: {  	p0 =	sne.s32 s0, $0x0;
	_ =	strace $0x90000047  }
0x7e: {  	s0 =	sadd.s32 @!p0 $0x100000, s1;
	[bflag:$0x2] =	sbarrier.arrive $0xFFFF  }
0x7f: {  	[sflag:s0] =	ssyncadd.tile.s32 @!p0 $0x1;
	_ =	shalt  }
.Lfunc_end2:
_tile_overlayer_lowered:
.L_overlay_start_2:
0x80: {  	(tag) =	ssettag $0x2  }
0x81: {  	s0 =	rddreg [dreg:$0x0];
	s2 =	stileid.u32  }
0x82: {  	s1 =	rddreg [dreg:$0x1];
	p0 =	sne.s32 s2, $0x0  }
0x83: {  	s3 =	rddreg [dreg:$0x2];
	[bflag:$0x3] =	sbarrier.arrive $0xFFFF;
	s2 =	simm.s32 @!p0 $0x1C03  }
0x84: {  	[timem:s3], [sflag:s2] =	dma.local @!p0 [hbm:s0], s1  }
0x85: {  	s0 =	simm.s32 @!p0 $0x3  }
0x86: {  	_ =	swait.ge @!p0 [sflag:s0], s1  }
0x87: {  	s1 =	ssub.s32 @!p0 $0x0, s1;
	[sflag:s0] =	ssyncset.done @!p0 $0x0  }
0x88: {  	[sflag:s0] =	ssyncadd.s32 @!p0 s1  }
0x89: {  	[bflag:$0x3] =	sbarrier.arrive $0xFFFF  }
0x8a: {  	_ =	shalt  }

</sc_bundles>
